<compile_context>
chip_gen: v7x
topology: tpu7x:2x2x1
jax: 0.10.2.dev20260603
libtpu: 0.0.44.dev20260713+nightly
codegen_flags: <defaults>
</compile_context>

<pallas_src>
import jax
import jax.numpy as jnp
from jax import lax
from jax.experimental import pallas as pl
from jax.experimental.pallas import tpu as pltpu
from jax.experimental.pallas import tpu_sc as plsc

NUM_NODES = 10000
NUM_HEADS = 8
BATCH = 1024
SEQ_LEN = 50

PAIRS = SEQ_LEN * SEQ_LEN
OUT_ROW = PAIRS * NUM_HEADS
IDX_ROWS = 20
IDX_COLS = 128
NUM_WORKERS = 32
B_PER_W = BATCH // NUM_WORKERS
SEQ_BLOCK = B_PER_W * SEQ_LEN
EXP_CHUNKS = OUT_ROW // 16
EXP_UNROLL = 10


def _body(seq_hbm, table_hbm, out_hbm, seq_v, idx_v, vals_v, out_v, sem):
    wid = lax.axis_index("s") * 2 + lax.axis_index("c")
    lanes = lax.iota(jnp.int32, 16)
    rep = lanes // 8
    zeros16 = jnp.zeros((16,), jnp.int32)
    tail_mask = lanes < 2

    row19 = zeros16 + 19
    for z in range(4):
        plsc.store_scatter(idx_v, [row19, 64 + z * 16 + lanes], zeros16)

    pltpu.sync_copy(
        seq_hbm.at[pl.ds(wid * SEQ_BLOCK, SEQ_BLOCK)],
        seq_v.at[pl.ds(0, SEQ_BLOCK)],
    )

    def per_batch(k, carry):
        b = wid * B_PER_W + k
        s0 = k * SEQ_LEN

        cols = [plsc.load_gather(seq_v, [s0 + cj * 16 + lanes]) for cj in range(4)]

        def per_i(i, c):
            base_addr = plsc.load_gather(seq_v, [zeros16 + (s0 + i)]) * NUM_NODES
            p0 = i * SEQ_LEN
            for cj in range(4):
                vec = c[cj] + base_addr
                pos = p0 + cj * 16 + lanes
                mask = tail_mask if cj == 3 else None
                plsc.store_scatter(
                    idx_v, [pos // IDX_COLS, pos % IDX_COLS], vec, mask=mask
                )
            return c

        lax.fori_loop(0, SEQ_LEN, per_i, tuple(cols))

        copies = [
            pltpu.async_copy(
                table_hbm.at[idx_v.at[ck]],
                vals_v.at[pl.ds(ck * IDX_COLS, IDX_COLS)],
                sem,
            )
            for ck in range(IDX_ROWS)
        ]
        for c in copies:
            c.wait()

        def expand(c0, c):
            for u in range(EXP_UNROLL):
                cc = c0 * EXP_UNROLL + u
                g = plsc.load_gather(vals_v, [rep + 2 * cc])
                out_v[pl.ds(16 * cc, 16)] = g
            return c

        lax.fori_loop(0, EXP_CHUNKS // EXP_UNROLL, expand, 0)

        pltpu.sync_copy(out_v, out_hbm.at[b])
        return carry

    lax.fori_loop(0, B_PER_W, per_batch, 0)


@jax.jit
def kernel(user_seq, spatial_pos_table):
    seq_flat = user_seq.reshape(BATCH * SEQ_LEN)
    table_flat = spatial_pos_table.reshape(NUM_NODES * NUM_NODES)
    k = pl.kernel(
        _body,
        out_type=jax.ShapeDtypeStruct((BATCH, OUT_ROW), jnp.int32),
        mesh=plsc.VectorSubcoreMesh(core_axis_name="c", subcore_axis_name="s"),
        scratch_types=[
            pltpu.VMEM((SEQ_BLOCK + 64,), jnp.int32),
            pltpu.VMEM((IDX_ROWS, IDX_COLS), jnp.int32),
            pltpu.VMEM((IDX_ROWS * IDX_COLS,), jnp.int32),
            pltpu.VMEM((OUT_ROW,), jnp.int32),
            pltpu.SemaphoreType.DMA,
        ],
        compiler_params=pltpu.CompilerParams(needs_layout_passes=False),
    )
    out = k(seq_flat, table_flat)
    return out.reshape(BATCH, SEQ_LEN, SEQ_LEN, NUM_HEADS)

# --- scband reference (transcript-rebuilt; emitter-appended) ---
"""Pipeline reference for scband-spatial-encoder-18047452578328 (READ-ONLY COPY).

The authoritative reference and input builder live on the scoring server;
editing this copy changes nothing except your own understanding.
"""

import jax, jax.numpy as jnp
import numpy as np

NUM_NODES = 10000
NUM_HEADS = 8
BATCH = 1024
SEQ_LEN = 50

def setup_inputs(seed: int = 0) -> dict:
    key = jax.random.key(seed)
    k1, k2 = jax.random.split(key)
    user_seq = jax.random.randint(k1, (BATCH, SEQ_LEN), 0, NUM_NODES, dtype=jnp.int32)
    # Stand-in for the precomputed SPD matrix loaded from <data_path>/<spd_file>.
    # Integer shortest-path distances, capped at 511 like typical Graphormer SPD tables.
    spatial_pos_table = jax.random.randint(k2, (NUM_NODES, NUM_NODES), 0, 511, dtype=jnp.int32)
    return {"user_seq": user_seq, "spatial_pos_table": spatial_pos_table}

def reference(user_seq, spatial_pos_table):
    # For each sequence b: spd_matrix = table[seq, :][:, seq]  -> [L, L]
    # Vectorized pairwise gather: table[seq[:, :, None], seq[:, None, :]] -> [B, L, L]
    spd = spatial_pos_table[user_seq[:, :, None], user_seq[:, None, :]]
    # torch: total_output.repeat(H,1,1,1).permute(1,2,3,0) == tile along a new last axis
    attn_bias = jnp.repeat(spd[..., None], NUM_HEADS, axis=-1)  # [B, L, L, H]
    return attn_bias

if __name__ == "__main__":
    import jax
    _d = setup_inputs()
    print(jax.jit(kernel)(*tuple(_d.values())))

</pallas_src>

<mosaic_0001>
#map = affine_map<(d0, d1) -> (0)>
#map1 = affine_map<(d0, d1) -> (0, 0)>
module attributes {stable_mosaic.version = 14 : i64} {
  func.func @_body(%arg0: i32, %arg1: i32, %arg2: memref<51200xi32, #tpu.memory_space<hbm>>, %arg3: memref<100000000xi32, #tpu.memory_space<hbm>>, %arg4: memref<1024x20000xi32, #tpu.memory_space<hbm>>, %arg5: memref<1664xi32, #tpu.memory_space<vmem>>, %arg6: memref<20x128xi32, #tpu.memory_space<vmem>>, %arg7: memref<2560xi32, #tpu.memory_space<vmem>>, %arg8: memref<20000xi32, #tpu.memory_space<vmem>>, %arg9: memref<!tpu.dma_semaphore, #tpu.memory_space<semaphore_mem>>) attributes {dimension_semantics = [#tpu.dimension_semantics<core_parallel>, #tpu.dimension_semantics<subcore_parallel>], iteration_bounds = array<i64: 2, 16>, scalar_prefetch = 0 : i64, scratch_operands = 5 : i64, tpu.core_type = #tpu.core_type<sc_vector_subcore>, window_params = [{transform_indices = #map}, {transform_indices = #map}, {transform_indices = #map1}]} {
    %mul3A = arith.constant 2 : i32
    %mul3A_0 = arith.muli %arg1, %mul3A : i32
    %add3A = arith.addi %mul3A_0, %arg0 : i32
    %iota3A = tpu.iota {dimensions = array<i32: 0>} : vector<16xi32>
    %jit3A = arith.constant 8 : i32
    %div3A = vector.broadcast %jit3A : i32 to vector<16xi32>
    %div3A_1 = arith.divsi %iota3A, %div3A : vector<16xi32>
    %sign3A = arith.constant 0 : i32
    %sign3A_2 = vector.broadcast %sign3A : i32 to vector<16xi32>
    %sign3A_3 = arith.cmpi sgt, %iota3A, %sign3A_2 : vector<16xi32>
    %sign3A_4 = arith.extui %sign3A_3 : vector<16xi1> to vector<16xi32>
    %sign3A_5 = arith.constant 0 : i32
    %sign3A_6 = vector.broadcast %sign3A_5 : i32 to vector<16xi32>
    %sign3A_7 = arith.cmpi slt, %iota3A, %sign3A_6 : vector<16xi32>
    %sign3A_8 = arith.extui %sign3A_7 : vector<16xi1> to vector<16xi32>
    %sign3A_9 = arith.subi %sign3A_4, %sign3A_8 : vector<16xi32>
    %sign3A_10 = arith.constant 0 : i32
    %sign3A_11 = arith.cmpi sgt, %jit3A, %sign3A_10 : i32
    %sign3A_12 = arith.extui %sign3A_11 : i1 to i32
    %sign3A_13 = arith.constant 0 : i32
    %sign3A_14 = arith.cmpi slt, %jit3A, %sign3A_13 : i32
    %sign3A_15 = arith.extui %sign3A_14 : i1 to i32
    %sign3A_16 = arith.subi %sign3A_12, %sign3A_15 : i32
    %ne3A = vector.broadcast %sign3A_16 : i32 to vector<16xi32>
    %ne3A_17 = arith.cmpi ne, %sign3A_9, %ne3A : vector<16xi32>
    %rem3A = vector.broadcast %jit3A : i32 to vector<16xi32>
    %rem3A_18 = arith.remsi %iota3A, %rem3A : vector<16xi32>
    %ne3A_19 = arith.constant 0 : i32
    %ne3A_20 = vector.broadcast %ne3A_19 : i32 to vector<16xi32>
    %ne3A_21 = arith.cmpi ne, %rem3A_18, %ne3A_20 : vector<16xi32>
    %and3A = arith.andi %ne3A_17, %ne3A_21 : vector<16xi1>
    %sub3A = arith.constant 1 : i32
    %sub3A_22 = vector.broadcast %sub3A : i32 to vector<16xi32>
    %sub3A_23 = arith.subi %div3A_1, %sub3A_22 : vector<16xi32>
    %select_n3A = arith.select %and3A, %sub3A_23, %div3A_1 : vector<16xi1>, vector<16xi32>
    %broadcast_in_dim3A = arith.constant 0 : i32
    %broadcast_in_dim3A_24 = vector.broadcast %broadcast_in_dim3A : i32 to vector<16xi32>
    %lt3A = arith.constant 2 : i32
    %lt3A_25 = vector.broadcast %lt3A : i32 to vector<16xi32>
    %lt3A_26 = arith.cmpi slt, %iota3A, %lt3A_25 : vector<16xi32>
    %add3A_27 = arith.constant 19 : i32
    %add3A_28 = vector.broadcast %add3A_27 : i32 to vector<16xi32>
    %add3A_29 = arith.addi %broadcast_in_dim3A_24, %add3A_28 : vector<16xi32>
    %add3A_30 = arith.constant 64 : i32
    %add3A_31 = vector.broadcast %add3A_30 : i32 to vector<16xi32>
    %add3A_32 = arith.addi %add3A_31, %iota3A : vector<16xi32>
    tpu.vector_store_idx %arg6[%add3A_29, %add3A_32], %broadcast_in_dim3A_24 : memref<20x128xi32, #tpu.memory_space<vmem>>[vector<16xi32>, vector<16xi32>], vector<16xi32>,
    %add3A_33 = arith.constant 80 : i32
    %add3A_34 = vector.broadcast %add3A_33 : i32 to vector<16xi32>
    %add3A_35 = arith.addi %add3A_34, %iota3A : vector<16xi32>
    tpu.vector_store_idx %arg6[%add3A_29, %add3A_35], %broadcast_in_dim3A_24 : memref<20x128xi32, #tpu.memory_space<vmem>>[vector<16xi32>, vector<16xi32>], vector<16xi32>,
    %add3A_36 = arith.constant 96 : i32
    %add3A_37 = vector.broadcast %add3A_36 : i32 to vector<16xi32>
    %add3A_38 = arith.addi %add3A_37, %iota3A : vector<16xi32>
    tpu.vector_store_idx %arg6[%add3A_29, %add3A_38], %broadcast_in_dim3A_24 : memref<20x128xi32, #tpu.memory_space<vmem>>[vector<16xi32>, vector<16xi32>], vector<16xi32>,
    %add3A_39 = arith.constant 112 : i32
    %add3A_40 = vector.broadcast %add3A_39 : i32 to vector<16xi32>
    %add3A_41 = arith.addi %add3A_40, %iota3A : vector<16xi32>
    tpu.vector_store_idx %arg6[%add3A_29, %add3A_41], %broadcast_in_dim3A_24 : memref<20x128xi32, #tpu.memory_space<vmem>>[vector<16xi32>, vector<16xi32>], vector<16xi32>,
    %mul3A_42 = arith.constant 1600 : i32
    %mul3A_43 = arith.muli %add3A, %mul3A_42 : i32
    "tpu.region"() ({
      %run_scoped3A = tpu.sem_alloc : memref<!tpu.dma_semaphore, #tpu.memory_space<semaphore_mem>>
      %dma_start3A = arith.constant 0 : i32
      %dma_start3A_49 = tpu.memref_slice %arg5[%dma_start3A] : memref<1664xi32, #tpu.memory_space<vmem>> -> memref<1600xi32, #tpu.memory_space<vmem>>
      %dma_start3A_50 = tpu.memref_slice %arg2[%mul3A_43] : memref<51200xi32, #tpu.memory_space<hbm>> -> memref<1600xi32, #tpu.memory_space<hbm>>
      %dma_start3A_51 = arith.constant 0 : i32
      %dma_start3A_52 = tpu.memref_slice %arg5[%dma_start3A_51] : memref<1664xi32, #tpu.memory_space<vmem>> -> memref<1600xi32, #tpu.memory_space<vmem>>
      %dma_start3A_53 = tpu.memref_slice %arg2[%mul3A_43] : memref<51200xi32, #tpu.memory_space<hbm>> -> memref<1600xi32, #tpu.memory_space<hbm>>
      tpu.enqueue_dma source(%dma_start3A_53 : memref<1600xi32, #tpu.memory_space<hbm>>) target(%dma_start3A_52 : memref<1600xi32, #tpu.memory_space<vmem>>) target_semaphore(%run_scoped3A : memref<!tpu.dma_semaphore, #tpu.memory_space<semaphore_mem>>)
      %dma_wait3A = arith.constant 0 : i32
      %dma_wait3A_54 = tpu.memref_slice %arg5[%dma_wait3A] : memref<1664xi32, #tpu.memory_space<vmem>> -> memref<1600xi32, #tpu.memory_space<vmem>>
      %dma_wait3A_55 = tpu.memref_slice %arg2[%mul3A_43] : memref<51200xi32, #tpu.memory_space<hbm>> -> memref<1600xi32, #tpu.memory_space<hbm>>
      %dma_wait3A_56 = arith.constant 0 : i32
      %dma_wait3A_57 = tpu.memref_slice %arg5[%dma_wait3A_56] : memref<1664xi32, #tpu.memory_space<vmem>> -> memref<1600xi32, #tpu.memory_space<vmem>>
      %dma_wait3A_58 = tpu.memref_slice %arg2[%mul3A_43] : memref<51200xi32, #tpu.memory_space<hbm>> -> memref<1600xi32, #tpu.memory_space<hbm>>
      tpu.wait_dma2 semaphore(%run_scoped3A : memref<!tpu.dma_semaphore, #tpu.memory_space<semaphore_mem>>) src(%dma_wait3A_58 : memref<1600xi32, #tpu.memory_space<hbm>>) dst(%dma_wait3A_57 : memref<1600xi32, #tpu.memory_space<vmem>>)
      tpu.yield
    }) : () -> ()
    %scan3A = arith.constant 0 : i32
    %scan3A_44 = arith.constant 0 : i32
    %scan3A_45 = arith.constant 32 : i32
    %scan3A_46 = arith.addi %scan3A_44, %scan3A_45 : i32
    %scan3A_47 = arith.constant 1 : i32
    scf.for %scan3A_49 = %scan3A_44 to %scan3A_46 step %scan3A_47  : i32 {
      %mul3A_50 = arith.constant 32 : i32
      %mul3A_51 = arith.muli %add3A, %mul3A_50 : i32
      %add3A_52 = arith.addi %mul3A_51, %scan3A_49 : i32
      %mul3A_53 = arith.constant 50 : i32
      %mul3A_54 = arith.muli %scan3A_49, %mul3A_53 : i32
      %add3A_55 = arith.constant 0 : i32
      %add3A_56 = arith.addi %mul3A_54, %add3A_55 : i32
      %add3A_57 = vector.broadcast %add3A_56 : i32 to vector<16xi32>
      %add3A_58 = arith.addi %add3A_57, %iota3A : vector<16xi32>
      %gather3A = tpu.vector_load_idx %arg5[%add3A_58] : memref<1664xi32, #tpu.memory_space<vmem>>[vector<16xi32>], vector<16xi32>,
      %add3A_59 = arith.constant 16 : i32
      %add3A_60 = arith.addi %mul3A_54, %add3A_59 : i32
      %add3A_61 = vector.broadcast %add3A_60 : i32 to vector<16xi32>
      %add3A_62 = arith.addi %add3A_61, %iota3A : vector<16xi32>
      %gather3A_63 = tpu.vector_load_idx %arg5[%add3A_62] : memref<1664xi32, #tpu.memory_space<vmem>>[vector<16xi32>], vector<16xi32>,
      %add3A_64 = arith.constant 32 : i32
      %add3A_65 = arith.addi %mul3A_54, %add3A_64 : i32
      %add3A_66 = vector.broadcast %add3A_65 : i32 to vector<16xi32>
      %add3A_67 = arith.addi %add3A_66, %iota3A : vector<16xi32>
      %gather3A_68 = tpu.vector_load_idx %arg5[%add3A_67] : memref<1664xi32, #tpu.memory_space<vmem>>[vector<16xi32>], vector<16xi32>,
      %add3A_69 = arith.constant 48 : i32
      %add3A_70 = arith.addi %mul3A_54, %add3A_69 : i32
      %add3A_71 = vector.broadcast %add3A_70 : i32 to vector<16xi32>
      %add3A_72 = arith.addi %add3A_71, %iota3A : vector<16xi32>
      %gather3A_73 = tpu.vector_load_idx %arg5[%add3A_72] : memref<1664xi32, #tpu.memory_space<vmem>>[vector<16xi32>], vector<16xi32>,
      %scan3A_74 = arith.constant 0 : i32
      %scan3A_75 = arith.constant 50 : i32
      %scan3A_76 = arith.addi %scan3A_74, %scan3A_75 : i32
      %scan3A_77 = arith.constant 1 : i32
      scf.for %scan3A_403 = %scan3A_74 to %scan3A_76 step %scan3A_77  : i32 {
        %add3A_404 = arith.addi %mul3A_54, %scan3A_403 : i32
        %add3A_405 = vector.broadcast %add3A_404 : i32 to vector<16xi32>
        %add3A_406 = arith.addi %broadcast_in_dim3A_24, %add3A_405 : vector<16xi32>
        %gather3A_407 = tpu.vector_load_idx %arg5[%add3A_406] : memref<1664xi32, #tpu.memory_space<vmem>>[vector<16xi32>], vector<16xi32>,
        %mul3A_408 = arith.constant 10000 : i32
        %mul3A_409 = vector.broadcast %mul3A_408 : i32 to vector<16xi32>
        %mul3A_410 = arith.muli %gather3A_407, %mul3A_409 : vector<16xi32>
        %mul3A_411 = arith.constant 50 : i32
        %mul3A_412 = arith.muli %scan3A_403, %mul3A_411 : i32
        %add3A_413 = arith.addi %gather3A, %mul3A_410 : vector<16xi32>
        %add3A_414 = arith.constant 0 : i32
        %add3A_415 = arith.addi %mul3A_412, %add3A_414 : i32
        %add3A_416 = vector.broadcast %add3A_415 : i32 to vector<16xi32>
        %add3A_417 = arith.addi %add3A_416, %iota3A : vector<16xi32>
        %jit3A_418 = arith.constant 128 : i32
        %div3A_419 = vector.broadcast %jit3A_418 : i32 to vector<16xi32>
        %div3A_420 = arith.divsi %add3A_417, %div3A_419 : vector<16xi32>
        %sign3A_421 = arith.constant 0 : i32
        %sign3A_422 = vector.broadcast %sign3A_421 : i32 to vector<16xi32>
        %sign3A_423 = arith.cmpi sgt, %add3A_417, %sign3A_422 : vector<16xi32>
        %sign3A_424 = arith.extui %sign3A_423 : vector<16xi1> to vector<16xi32>
        %sign3A_425 = arith.constant 0 : i32
        %sign3A_426 = vector.broadcast %sign3A_425 : i32 to vector<16xi32>
        %sign3A_427 = arith.cmpi slt, %add3A_417, %sign3A_426 : vector<16xi32>
        %sign3A_428 = arith.extui %sign3A_427 : vector<16xi1> to vector<16xi32>
        %sign3A_429 = arith.subi %sign3A_424, %sign3A_428 : vector<16xi32>
        %sign3A_430 = arith.constant 0 : i32
        %sign3A_431 = arith.cmpi sgt, %jit3A_418, %sign3A_430 : i32
        %sign3A_432 = arith.extui %sign3A_431 : i1 to i32
        %sign3A_433 = arith.constant 0 : i32
        %sign3A_434 = arith.cmpi slt, %jit3A_418, %sign3A_433 : i32
        %sign3A_435 = arith.extui %sign3A_434 : i1 to i32
        %sign3A_436 = arith.subi %sign3A_432, %sign3A_435 : i32
        %ne3A_437 = vector.broadcast %sign3A_436 : i32 to vector<16xi32>
        %ne3A_438 = arith.cmpi ne, %sign3A_429, %ne3A_437 : vector<16xi32>
        %rem3A_439 = vector.broadcast %jit3A_418 : i32 to vector<16xi32>
        %rem3A_440 = arith.remsi %add3A_417, %rem3A_439 : vector<16xi32>
        %ne3A_441 = arith.constant 0 : i32
        %ne3A_442 = vector.broadcast %ne3A_441 : i32 to vector<16xi32>
        %ne3A_443 = arith.cmpi ne, %rem3A_440, %ne3A_442 : vector<16xi32>
        %and3A_444 = arith.andi %ne3A_438, %ne3A_443 : vector<16xi1>
        %sub3A_445 = arith.constant 1 : i32
        %sub3A_446 = vector.broadcast %sub3A_445 : i32 to vector<16xi32>
        %sub3A_447 = arith.subi %div3A_420, %sub3A_446 : vector<16xi32>
        %select_n3A_448 = arith.select %and3A_444, %sub3A_447, %div3A_420 : vector<16xi1>, vector<16xi32>
        %jit3A_449 = arith.constant 128 : i32
        %eq3A = arith.constant 0 : i32
        %eq3A_450 = arith.cmpi eq, %jit3A_449, %eq3A : i32
        %jit3A_451 = arith.constant 1 : i32
        %select_n3A_452 = arith.select %eq3A_450, %jit3A_451, %jit3A_449 : i32
        %rem3A_453 = vector.broadcast %select_n3A_452 : i32 to vector<16xi32>
        %rem3A_454 = arith.remsi %add3A_417, %rem3A_453 : vector<16xi32>
        %ne3A_455 = arith.constant 0 : i32
        %ne3A_456 = vector.broadcast %ne3A_455 : i32 to vector<16xi32>
        %ne3A_457 = arith.cmpi ne, %rem3A_454, %ne3A_456 : vector<16xi32>
        %lt3A_458 = arith.constant 0 : i32
        %lt3A_459 = vector.broadcast %lt3A_458 : i32 to vector<16xi32>
        %lt3A_460 = arith.cmpi slt, %rem3A_454, %lt3A_459 : vector<16xi32>
        %lt3A_461 = arith.constant 0 : i32
        %lt3A_462 = arith.cmpi slt, %select_n3A_452, %lt3A_461 : i32
        %ne3A_463 = vector.broadcast %lt3A_462 : i1 to vector<16xi1>
        %ne3A_464 = vector.broadcast %ne3A_463 : vector<16xi1> to vector<16xi1>
        %ne3A_465 = arith.xori %lt3A_460, %ne3A_464 : vector<16xi1>
        %and3A_466 = arith.andi %ne3A_465, %ne3A_457 : vector<16xi1>
        %add3A_467 = vector.broadcast %select_n3A_452 : i32 to vector<16xi32>
        %add3A_468 = arith.addi %rem3A_454, %add3A_467 : vector<16xi32>
        %select_n3A_469 = arith.select %and3A_466, %add3A_468, %rem3A_454 : vector<16xi1>, vector<16xi32>
        tpu.vector_store_idx %arg6[%select_n3A_448, %select_n3A_469], %add3A_413 : memref<20x128xi32, #tpu.memory_space<vmem>>[vector<16xi32>, vector<16xi32>], vector<16xi32>,
        %add3A_470 = arith.addi %gather3A_63, %mul3A_410 : vector<16xi32>
        %add3A_471 = arith.constant 16 : i32
        %add3A_472 = arith.addi %mul3A_412, %add3A_471 : i32
        %add3A_473 = vector.broadcast %add3A_472 : i32 to vector<16xi32>
        %add3A_474 = arith.addi %add3A_473, %iota3A : vector<16xi32>
        %jit3A_475 = arith.constant 128 : i32
        %div3A_476 = vector.broadcast %jit3A_475 : i32 to vector<16xi32>
        %div3A_477 = arith.divsi %add3A_474, %div3A_476 : vector<16xi32>
        %sign3A_478 = arith.constant 0 : i32
        %sign3A_479 = vector.broadcast %sign3A_478 : i32 to vector<16xi32>
        %sign3A_480 = arith.cmpi sgt, %add3A_474, %sign3A_479 : vector<16xi32>
        %sign3A_481 = arith.extui %sign3A_480 : vector<16xi1> to vector<16xi32>
        %sign3A_482 = arith.constant 0 : i32
        %sign3A_483 = vector.broadcast %sign3A_482 : i32 to vector<16xi32>
        %sign3A_484 = arith.cmpi slt, %add3A_474, %sign3A_483 : vector<16xi32>
        %sign3A_485 = arith.extui %sign3A_484 : vector<16xi1> to vector<16xi32>
        %sign3A_486 = arith.subi %sign3A_481, %sign3A_485 : vector<16xi32>
        %sign3A_487 = arith.constant 0 : i32
        %sign3A_488 = arith.cmpi sgt, %jit3A_475, %sign3A_487 : i32
        %sign3A_489 = arith.extui %sign3A_488 : i1 to i32
        %sign3A_490 = arith.constant 0 : i32
        %sign3A_491 = arith.cmpi slt, %jit3A_475, %sign3A_490 : i32
        %sign3A_492 = arith.extui %sign3A_491 : i1 to i32
        %sign3A_493 = arith.subi %sign3A_489, %sign3A_492 : i32
        %ne3A_494 = vector.broadcast %sign3A_493 : i32 to vector<16xi32>
        %ne3A_495 = arith.cmpi ne, %sign3A_486, %ne3A_494 : vector<16xi32>
        %rem3A_496 = vector.broadcast %jit3A_475 : i32 to vector<16xi32>
        %rem3A_497 = arith.remsi %add3A_474, %rem3A_496 : vector<16xi32>
        %ne3A_498 = arith.constant 0 : i32
        %ne3A_499 = vector.broadcast %ne3A_498 : i32 to vector<16xi32>
        %ne3A_500 = arith.cmpi ne, %rem3A_497, %ne3A_499 : vector<16xi32>
        %and3A_501 = arith.andi %ne3A_495, %ne3A_500 : vector<16xi1>
        %sub3A_502 = arith.constant 1 : i32
        %sub3A_503 = vector.broadcast %sub3A_502 : i32 to vector<16xi32>
        %sub3A_504 = arith.subi %div3A_477, %sub3A_503 : vector<16xi32>
        %select_n3A_505 = arith.select %and3A_501, %sub3A_504, %div3A_477 : vector<16xi1>, vector<16xi32>
        %jit3A_506 = arith.constant 128 : i32
        %eq3A_507 = arith.constant 0 : i32
        %eq3A_508 = arith.cmpi eq, %jit3A_506, %eq3A_507 : i32
        %jit3A_509 = arith.constant 1 : i32
        %select_n3A_510 = arith.select %eq3A_508, %jit3A_509, %jit3A_506 : i32
        %rem3A_511 = vector.broadcast %select_n3A_510 : i32 to vector<16xi32>
        %rem3A_512 = arith.remsi %add3A_474, %rem3A_511 : vector<16xi32>
        %ne3A_513 = arith.constant 0 : i32
        %ne3A_514 = vector.broadcast %ne3A_513 : i32 to vector<16xi32>
        %ne3A_515 = arith.cmpi ne, %rem3A_512, %ne3A_514 : vector<16xi32>
        %lt3A_516 = arith.constant 0 : i32
        %lt3A_517 = vector.broadcast %lt3A_516 : i32 to vector<16xi32>
        %lt3A_518 = arith.cmpi slt, %rem3A_512, %lt3A_517 : vector<16xi32>
        %lt3A_519 = arith.constant 0 : i32
        %lt3A_520 = arith.cmpi slt, %select_n3A_510, %lt3A_519 : i32
        %ne3A_521 = vector.broadcast %lt3A_520 : i1 to vector<16xi1>
        %ne3A_522 = vector.broadcast %ne3A_521 : vector<16xi1> to vector<16xi1>
        %ne3A_523 = arith.xori %lt3A_518, %ne3A_522 : vector<16xi1>
        %and3A_524 = arith.andi %ne3A_523, %ne3A_515 : vector<16xi1>
        %add3A_525 = vector.broadcast %select_n3A_510 : i32 to vector<16xi32>
        %add3A_526 = arith.addi %rem3A_512, %add3A_525 : vector<16xi32>
        %select_n3A_527 = arith.select %and3A_524, %add3A_526, %rem3A_512 : vector<16xi1>, vector<16xi32>
        tpu.vector_store_idx %arg6[%select_n3A_505, %select_n3A_527], %add3A_470 : memref<20x128xi32, #tpu.memory_space<vmem>>[vector<16xi32>, vector<16xi32>], vector<16xi32>,
        %add3A_528 = arith.addi %gather3A_68, %mul3A_410 : vector<16xi32>
        %add3A_529 = arith.constant 32 : i32
        %add3A_530 = arith.addi %mul3A_412, %add3A_529 : i32
        %add3A_531 = vector.broadcast %add3A_530 : i32 to vector<16xi32>
        %add3A_532 = arith.addi %add3A_531, %iota3A : vector<16xi32>
        %jit3A_533 = arith.constant 128 : i32
        %div3A_534 = vector.broadcast %jit3A_533 : i32 to vector<16xi32>
        %div3A_535 = arith.divsi %add3A_532, %div3A_534 : vector<16xi32>
        %sign3A_536 = arith.constant 0 : i32
        %sign3A_537 = vector.broadcast %sign3A_536 : i32 to vector<16xi32>
        %sign3A_538 = arith.cmpi sgt, %add3A_532, %sign3A_537 : vector<16xi32>
        %sign3A_539 = arith.extui %sign3A_538 : vector<16xi1> to vector<16xi32>
        %sign3A_540 = arith.constant 0 : i32
        %sign3A_541 = vector.broadcast %sign3A_540 : i32 to vector<16xi32>
        %sign3A_542 = arith.cmpi slt, %add3A_532, %sign3A_541 : vector<16xi32>
        %sign3A_543 = arith.extui %sign3A_542 : vector<16xi1> to vector<16xi32>
        %sign3A_544 = arith.subi %sign3A_539, %sign3A_543 : vector<16xi32>
        %sign3A_545 = arith.constant 0 : i32
        %sign3A_546 = arith.cmpi sgt, %jit3A_533, %sign3A_545 : i32
        %sign3A_547 = arith.extui %sign3A_546 : i1 to i32
        %sign3A_548 = arith.constant 0 : i32
        %sign3A_549 = arith.cmpi slt, %jit3A_533, %sign3A_548 : i32
        %sign3A_550 = arith.extui %sign3A_549 : i1 to i32
        %sign3A_551 = arith.subi %sign3A_547, %sign3A_550 : i32
        %ne3A_552 = vector.broadcast %sign3A_551 : i32 to vector<16xi32>
        %ne3A_553 = arith.cmpi ne, %sign3A_544, %ne3A_552 : vector<16xi32>
        %rem3A_554 = vector.broadcast %jit3A_533 : i32 to vector<16xi32>
        %rem3A_555 = arith.remsi %add3A_532, %rem3A_554 : vector<16xi32>
        %ne3A_556 = arith.constant 0 : i32
        %ne3A_557 = vector.broadcast %ne3A_556 : i32 to vector<16xi32>
        %ne3A_558 = arith.cmpi ne, %rem3A_555, %ne3A_557 : vector<16xi32>
        %and3A_559 = arith.andi %ne3A_553, %ne3A_558 : vector<16xi1>
        %sub3A_560 = arith.constant 1 : i32
        %sub3A_561 = vector.broadcast %sub3A_560 : i32 to vector<16xi32>
        %sub3A_562 = arith.subi %div3A_535, %sub3A_561 : vector<16xi32>
        %select_n3A_563 = arith.select %and3A_559, %sub3A_562, %div3A_535 : vector<16xi1>, vector<16xi32>
        %jit3A_564 = arith.constant 128 : i32
        %eq3A_565 = arith.constant 0 : i32
        %eq3A_566 = arith.cmpi eq, %jit3A_564, %eq3A_565 : i32
        %jit3A_567 = arith.constant 1 : i32
        %select_n3A_568 = arith.select %eq3A_566, %jit3A_567, %jit3A_564 : i32
        %rem3A_569 = vector.broadcast %select_n3A_568 : i32 to vector<16xi32>
        %rem3A_570 = arith.remsi %add3A_532, %rem3A_569 : vector<16xi32>
        %ne3A_571 = arith.constant 0 : i32
        %ne3A_572 = vector.broadcast %ne3A_571 : i32 to vector<16xi32>
        %ne3A_573 = arith.cmpi ne, %rem3A_570, %ne3A_572 : vector<16xi32>
        %lt3A_574 = arith.constant 0 : i32
        %lt3A_575 = vector.broadcast %lt3A_574 : i32 to vector<16xi32>
        %lt3A_576 = arith.cmpi slt, %rem3A_570, %lt3A_575 : vector<16xi32>
        %lt3A_577 = arith.constant 0 : i32
        %lt3A_578 = arith.cmpi slt, %select_n3A_568, %lt3A_577 : i32
        %ne3A_579 = vector.broadcast %lt3A_578 : i1 to vector<16xi1>
        %ne3A_580 = vector.broadcast %ne3A_579 : vector<16xi1> to vector<16xi1>
        %ne3A_581 = arith.xori %lt3A_576, %ne3A_580 : vector<16xi1>
        %and3A_582 = arith.andi %ne3A_581, %ne3A_573 : vector<16xi1>
        %add3A_583 = vector.broadcast %select_n3A_568 : i32 to vector<16xi32>
        %add3A_584 = arith.addi %rem3A_570, %add3A_583 : vector<16xi32>
        %select_n3A_585 = arith.select %and3A_582, %add3A_584, %rem3A_570 : vector<16xi1>, vector<16xi32>
        tpu.vector_store_idx %arg6[%select_n3A_563, %select_n3A_585], %add3A_528 : memref<20x128xi32, #tpu.memory_space<vmem>>[vector<16xi32>, vector<16xi32>], vector<16xi32>,
        %add3A_586 = arith.addi %gather3A_73, %mul3A_410 : vector<16xi32>
        %add3A_587 = arith.constant 48 : i32
        %add3A_588 = arith.addi %mul3A_412, %add3A_587 : i32
        %add3A_589 = vector.broadcast %add3A_588 : i32 to vector<16xi32>
        %add3A_590 = arith.addi %add3A_589, %iota3A : vector<16xi32>
        %jit3A_591 = arith.constant 128 : i32
        %div3A_592 = vector.broadcast %jit3A_591 : i32 to vector<16xi32>
        %div3A_593 = arith.divsi %add3A_590, %div3A_592 : vector<16xi32>
        %sign3A_594 = arith.constant 0 : i32
        %sign3A_595 = vector.broadcast %sign3A_594 : i32 to vector<16xi32>
        %sign3A_596 = arith.cmpi sgt, %add3A_590, %sign3A_595 : vector<16xi32>
        %sign3A_597 = arith.extui %sign3A_596 : vector<16xi1> to vector<16xi32>
        %sign3A_598 = arith.constant 0 : i32
        %sign3A_599 = vector.broadcast %sign3A_598 : i32 to vector<16xi32>
        %sign3A_600 = arith.cmpi slt, %add3A_590, %sign3A_599 : vector<16xi32>
        %sign3A_601 = arith.extui %sign3A_600 : vector<16xi1> to vector<16xi32>
        %sign3A_602 = arith.subi %sign3A_597, %sign3A_601 : vector<16xi32>
        %sign3A_603 = arith.constant 0 : i32
        %sign3A_604 = arith.cmpi sgt, %jit3A_591, %sign3A_603 : i32
        %sign3A_605 = arith.extui %sign3A_604 : i1 to i32
        %sign3A_606 = arith.constant 0 : i32
        %sign3A_607 = arith.cmpi slt, %jit3A_591, %sign3A_606 : i32
        %sign3A_608 = arith.extui %sign3A_607 : i1 to i32
        %sign3A_609 = arith.subi %sign3A_605, %sign3A_608 : i32
        %ne3A_610 = vector.broadcast %sign3A_609 : i32 to vector<16xi32>
        %ne3A_611 = arith.cmpi ne, %sign3A_602, %ne3A_610 : vector<16xi32>
        %rem3A_612 = vector.broadcast %jit3A_591 : i32 to vector<16xi32>
        %rem3A_613 = arith.remsi %add3A_590, %rem3A_612 : vector<16xi32>
        %ne3A_614 = arith.constant 0 : i32
        %ne3A_615 = vector.broadcast %ne3A_614 : i32 to vector<16xi32>
        %ne3A_616 = arith.cmpi ne, %rem3A_613, %ne3A_615 : vector<16xi32>
        %and3A_617 = arith.andi %ne3A_611, %ne3A_616 : vector<16xi1>
        %sub3A_618 = arith.constant 1 : i32
        %sub3A_619 = vector.broadcast %sub3A_618 : i32 to vector<16xi32>
        %sub3A_620 = arith.subi %div3A_593, %sub3A_619 : vector<16xi32>
        %select_n3A_621 = arith.select %and3A_617, %sub3A_620, %div3A_593 : vector<16xi1>, vector<16xi32>
        %jit3A_622 = arith.constant 128 : i32
        %eq3A_623 = arith.constant 0 : i32
        %eq3A_624 = arith.cmpi eq, %jit3A_622, %eq3A_623 : i32
        %jit3A_625 = arith.constant 1 : i32
        %select_n3A_626 = arith.select %eq3A_624, %jit3A_625, %jit3A_622 : i32
        %rem3A_627 = vector.broadcast %select_n3A_626 : i32 to vector<16xi32>
        %rem3A_628 = arith.remsi %add3A_590, %rem3A_627 : vector<16xi32>
        %ne3A_629 = arith.constant 0 : i32
        %ne3A_630 = vector.broadcast %ne3A_629 : i32 to vector<16xi32>
        %ne3A_631 = arith.cmpi ne, %rem3A_628, %ne3A_630 : vector<16xi32>
        %lt3A_632 = arith.constant 0 : i32
        %lt3A_633 = vector.broadcast %lt3A_632 : i32 to vector<16xi32>
        %lt3A_634 = arith.cmpi slt, %rem3A_628, %lt3A_633 : vector<16xi32>
        %lt3A_635 = arith.constant 0 : i32
        %lt3A_636 = arith.cmpi slt, %select_n3A_626, %lt3A_635 : i32
        %ne3A_637 = vector.broadcast %lt3A_636 : i1 to vector<16xi1>
        %ne3A_638 = vector.broadcast %ne3A_637 : vector<16xi1> to vector<16xi1>
        %ne3A_639 = arith.xori %lt3A_634, %ne3A_638 : vector<16xi1>
        %and3A_640 = arith.andi %ne3A_639, %ne3A_631 : vector<16xi1>
        %add3A_641 = vector.broadcast %select_n3A_626 : i32 to vector<16xi32>
        %add3A_642 = arith.addi %rem3A_628, %add3A_641 : vector<16xi32>
        %select_n3A_643 = arith.select %and3A_640, %add3A_642, %rem3A_628 : vector<16xi1>, vector<16xi32>
        tpu.vector_store_idx %arg6[%select_n3A_621, %select_n3A_643], %add3A_586 masked %lt3A_26 : memref<20x128xi32, #tpu.memory_space<vmem>>[vector<16xi32>, vector<16xi32>], vector<16xi32>, vector<16xi1>
      }
      %scan3A_78 = arith.constant 50 : i32
      %dma_start3A = arith.constant 0 : i32
      %dma_start3A_79 = arith.constant 0 : i32
      %dma_start3A_80 = tpu.memref_slice %arg7[%dma_start3A_79] : memref<2560xi32, #tpu.memory_space<vmem>> -> memref<128xi32, #tpu.memory_space<vmem>>
      %dma_start3A_81 = arith.constant 0 : i32
      %dma_start3A_82 = tpu.memref_slice %arg6[%dma_start3A, %dma_start3A_81] : memref<20x128xi32, #tpu.memory_space<vmem>> -> memref<1x128xi32, #tpu.memory_space<vmem>>
      %dma_start3A_83 = tpu.memref_squeeze %dma_start3A_82 : memref<1x128xi32, #tpu.memory_space<vmem>> -> memref<128xi32, #tpu.memory_space<vmem>>
      %dma_start3A_84 = arith.constant 0 : i32
      %dma_start3A_85 = tpu.memref_slice %arg3[%dma_start3A_84] : memref<100000000xi32, #tpu.memory_space<hbm>> -> memref<100000000xi32, #tpu.memory_space<hbm>>
      tpu.enqueue_indirect_dma source(%dma_start3A_85 : memref<100000000xi32, #tpu.memory_space<hbm>>) target(%dma_start3A_80 : memref<128xi32, #tpu.memory_space<vmem>>) offsets(%dma_start3A_83 : memref<128xi32, #tpu.memory_space<vmem>>) semaphore(%arg9 : memref<!tpu.dma_semaphore, #tpu.memory_space<semaphore_mem>>)
      %dma_start3A_86 = arith.constant 1 : i32
      %dma_start3A_87 = arith.constant 128 : i32
      %dma_start3A_88 = tpu.memref_slice %arg7[%dma_start3A_87] : memref<2560xi32, #tpu.memory_space<vmem>> -> memref<128xi32, #tpu.memory_space<vmem>>
      %dma_start3A_89 = arith.constant 0 : i32
      %dma_start3A_90 = tpu.memref_slice %arg6[%dma_start3A_86, %dma_start3A_89] : memref<20x128xi32, #tpu.memory_space<vmem>> -> memref<1x128xi32, #tpu.memory_space<vmem>>
      %dma_start3A_91 = tpu.memref_squeeze %dma_start3A_90 : memref<1x128xi32, #tpu.memory_space<vmem>> -> memref<128xi32, #tpu.memory_space<vmem>>
      %dma_start3A_92 = arith.constant 0 : i32
      %dma_start3A_93 = tpu.memref_slice %arg3[%dma_start3A_92] : memref<100000000xi32, #tpu.memory_space<hbm>> -> memref<100000000xi32, #tpu.memory_space<hbm>>
      tpu.enqueue_indirect_dma source(%dma_start3A_93 : memref<100000000xi32, #tpu.memory_space<hbm>>) target(%dma_start3A_88 : memref<128xi32, #tpu.memory_space<vmem>>) offsets(%dma_start3A_91 : memref<128xi32, #tpu.memory_space<vmem>>) semaphore(%arg9 : memref<!tpu.dma_semaphore, #tpu.memory_space<semaphore_mem>>)
      %dma_start3A_94 = arith.constant 2 : i32
      %dma_start3A_95 = arith.constant 256 : i32
      %dma_start3A_96 = tpu.memref_slice %arg7[%dma_start3A_95] : memref<2560xi32, #tpu.memory_space<vmem>> -> memref<128xi32, #tpu.memory_space<vmem>>
      %dma_start3A_97 = arith.constant 0 : i32
      %dma_start3A_98 = tpu.memref_slice %arg6[%dma_start3A_94, %dma_start3A_97] : memref<20x128xi32, #tpu.memory_space<vmem>> -> memref<1x128xi32, #tpu.memory_space<vmem>>
      %dma_start3A_99 = tpu.memref_squeeze %dma_start3A_98 : memref<1x128xi32, #tpu.memory_space<vmem>> -> memref<128xi32, #tpu.memory_space<vmem>>
      %dma_start3A_100 = arith.constant 0 : i32
      %dma_start3A_101 = tpu.memref_slice %arg3[%dma_start3A_100] : memref<100000000xi32, #tpu.memory_space<hbm>> -> memref<100000000xi32, #tpu.memory_space<hbm>>
      tpu.enqueue_indirect_dma source(%dma_start3A_101 : memref<100000000xi32, #tpu.memory_space<hbm>>) target(%dma_start3A_96 : memref<128xi32, #tpu.memory_space<vmem>>) offsets(%dma_start3A_99 : memref<128xi32, #tpu.memory_space<vmem>>) semaphore(%arg9 : memref<!tpu.dma_semaphore, #tpu.memory_space<semaphore_mem>>)
      %dma_start3A_102 = arith.constant 3 : i32
      %dma_start3A_103 = arith.constant 384 : i32
      %dma_start3A_104 = tpu.memref_slice %arg7[%dma_start3A_103] : memref<2560xi32, #tpu.memory_space<vmem>> -> memref<128xi32, #tpu.memory_space<vmem>>
      %dma_start3A_105 = arith.constant 0 : i32
      %dma_start3A_106 = tpu.memref_slice %arg6[%dma_start3A_102, %dma_start3A_105] : memref<20x128xi32, #tpu.memory_space<vmem>> -> memref<1x128xi32, #tpu.memory_space<vmem>>
      %dma_start3A_107 = tpu.memref_squeeze %dma_start3A_106 : memref<1x128xi32, #tpu.memory_space<vmem>> -> memref<128xi32, #tpu.memory_space<vmem>>
      %dma_start3A_108 = arith.constant 0 : i32
      %dma_start3A_109 = tpu.memref_slice %arg3[%dma_start3A_108] : memref<100000000xi32, #tpu.memory_space<hbm>> -> memref<100000000xi32, #tpu.memory_space<hbm>>
      tpu.enqueue_indirect_dma source(%dma_start3A_109 : memref<100000000xi32, #tpu.memory_space<hbm>>) target(%dma_start3A_104 : memref<128xi32, #tpu.memory_space<vmem>>) offsets(%dma_start3A_107 : memref<128xi32, #tpu.memory_space<vmem>>) semaphore(%arg9 : memref<!tpu.dma_semaphore, #tpu.memory_space<semaphore_mem>>)
      %dma_start3A_110 = arith.constant 4 : i32
      %dma_start3A_111 = arith.constant 512 : i32
      %dma_start3A_112 = tpu.memref_slice %arg7[%dma_start3A_111] : memref<2560xi32, #tpu.memory_space<vmem>> -> memref<128xi32, #tpu.memory_space<vmem>>
      %dma_start3A_113 = arith.constant 0 : i32
      %dma_start3A_114 = tpu.memref_slice %arg6[%dma_start3A_110, %dma_start3A_113] : memref<20x128xi32, #tpu.memory_space<vmem>> -> memref<1x128xi32, #tpu.memory_space<vmem>>
      %dma_start3A_115 = tpu.memref_squeeze %dma_start3A_114 : memref<1x128xi32, #tpu.memory_space<vmem>> -> memref<128xi32, #tpu.memory_space<vmem>>
      %dma_start3A_116 = arith.constant 0 : i32
      %dma_start3A_117 = tpu.memref_slice %arg3[%dma_start3A_116] : memref<100000000xi32, #tpu.memory_space<hbm>> -> memref<100000000xi32, #tpu.memory_space<hbm>>
      tpu.enqueue_indirect_dma source(%dma_start3A_117 : memref<100000000xi32, #tpu.memory_space<hbm>>) target(%dma_start3A_112 : memref<128xi32, #tpu.memory_space<vmem>>) offsets(%dma_start3A_115 : memref<128xi32, #tpu.memory_space<vmem>>) semaphore(%arg9 : memref<!tpu.dma_semaphore, #tpu.memory_space<semaphore_mem>>)
      %dma_start3A_118 = arith.constant 5 : i32
      %dma_start3A_119 = arith.constant 640 : i32
      %dma_start3A_120 = tpu.memref_slice %arg7[%dma_start3A_119] : memref<2560xi32, #tpu.memory_space<vmem>> -> memref<128xi32, #tpu.memory_space<vmem>>
      %dma_start3A_121 = arith.constant 0 : i32
      %dma_start3A_122 = tpu.memref_slice %arg6[%dma_start3A_118, %dma_start3A_121] : memref<20x128xi32, #tpu.memory_space<vmem>> -> memref<1x128xi32, #tpu.memory_space<vmem>>
      %dma_start3A_123 = tpu.memref_squeeze %dma_start3A_122 : memref<1x128xi32, #tpu.memory_space<vmem>> -> memref<128xi32, #tpu.memory_space<vmem>>
      %dma_start3A_124 = arith.constant 0 : i32
      %dma_start3A_125 = tpu.memref_slice %arg3[%dma_start3A_124] : memref<100000000xi32, #tpu.memory_space<hbm>> -> memref<100000000xi32, #tpu.memory_space<hbm>>
      tpu.enqueue_indirect_dma source(%dma_start3A_125 : memref<100000000xi32, #tpu.memory_space<hbm>>) target(%dma_start3A_120 : memref<128xi32, #tpu.memory_space<vmem>>) offsets(%dma_start3A_123 : memref<128xi32, #tpu.memory_space<vmem>>) semaphore(%arg9 : memref<!tpu.dma_semaphore, #tpu.memory_space<semaphore_mem>>)
      %dma_start3A_126 = arith.constant 6 : i32
      %dma_start3A_127 = arith.constant 768 : i32
      %dma_start3A_128 = tpu.memref_slice %arg7[%dma_start3A_127] : memref<2560xi32, #tpu.memory_space<vmem>> -> memref<128xi32, #tpu.memory_space<vmem>>
      %dma_start3A_129 = arith.constant 0 : i32
      %dma_start3A_130 = tpu.memref_slice %arg6[%dma_start3A_126, %dma_start3A_129] : memref<20x128xi32, #tpu.memory_space<vmem>> -> memref<1x128xi32, #tpu.memory_space<vmem>>
      %dma_start3A_131 = tpu.memref_squeeze %dma_start3A_130 : memref<1x128xi32, #tpu.memory_space<vmem>> -> memref<128xi32, #tpu.memory_space<vmem>>
      %dma_start3A_132 = arith.constant 0 : i32
      %dma_start3A_133 = tpu.memref_slice %arg3[%dma_start3A_132] : memref<100000000xi32, #tpu.memory_space<hbm>> -> memref<100000000xi32, #tpu.memory_space<hbm>>
      tpu.enqueue_indirect_dma source(%dma_start3A_133 : memref<100000000xi32, #tpu.memory_space<hbm>>) target(%dma_start3A_128 : memref<128xi32, #tpu.memory_space<vmem>>) offsets(%dma_start3A_131 : memref<128xi32, #tpu.memory_space<vmem>>) semaphore(%arg9 : memref<!tpu.dma_semaphore, #tpu.memory_space<semaphore_mem>>)
      %dma_start3A_134 = arith.constant 7 : i32
      %dma_start3A_135 = arith.constant 896 : i32
      %dma_start3A_136 = tpu.memref_slice %arg7[%dma_start3A_135] : memref<2560xi32, #tpu.memory_space<vmem>> -> memref<128xi32, #tpu.memory_space<vmem>>
      %dma_start3A_137 = arith.constant 0 : i32
      %dma_start3A_138 = tpu.memref_slice %arg6[%dma_start3A_134, %dma_start3A_137] : memref<20x128xi32, #tpu.memory_space<vmem>> -> memref<1x128xi32, #tpu.memory_space<vmem>>
      %dma_start3A_139 = tpu.memref_squeeze %dma_start3A_138 : memref<1x128xi32, #tpu.memory_space<vmem>> -> memref<128xi32, #tpu.memory_space<vmem>>
      %dma_start3A_140 = arith.constant 0 : i32
      %dma_start3A_141 = tpu.memref_slice %arg3[%dma_start3A_140] : memref<100000000xi32, #tpu.memory_space<hbm>> -> memref<100000000xi32, #tpu.memory_space<hbm>>
      tpu.enqueue_indirect_dma source(%dma_start3A_141 : memref<100000000xi32, #tpu.memory_space<hbm>>) target(%dma_start3A_136 : memref<128xi32, #tpu.memory_space<vmem>>) offsets(%dma_start3A_139 : memref<128xi32, #tpu.memory_space<vmem>>) semaphore(%arg9 : memref<!tpu.dma_semaphore, #tpu.memory_space<semaphore_mem>>)
      %dma_start3A_142 = arith.constant 8 : i32
      %dma_start3A_143 = arith.constant 1024 : i32
      %dma_start3A_144 = tpu.memref_slice %arg7[%dma_start3A_143] : memref<2560xi32, #tpu.memory_space<vmem>> -> memref<128xi32, #tpu.memory_space<vmem>>
      %dma_start3A_145 = arith.constant 0 : i32
      %dma_start3A_146 = tpu.memref_slice %arg6[%dma_start3A_142, %dma_start3A_145] : memref<20x128xi32, #tpu.memory_space<vmem>> -> memref<1x128xi32, #tpu.memory_space<vmem>>
      %dma_start3A_147 = tpu.memref_squeeze %dma_start3A_146 : memref<1x128xi32, #tpu.memory_space<vmem>> -> memref<128xi32, #tpu.memory_space<vmem>>
      %dma_start3A_148 = arith.constant 0 : i32
      %dma_start3A_149 = tpu.memref_slice %arg3[%dma_start3A_148] : memref<100000000xi32, #tpu.memory_space<hbm>> -> memref<100000000xi32, #tpu.memory_space<hbm>>
      tpu.enqueue_indirect_dma source(%dma_start3A_149 : memref<100000000xi32, #tpu.memory_space<hbm>>) target(%dma_start3A_144 : memref<128xi32, #tpu.memory_space<vmem>>) offsets(%dma_start3A_147 : memref<128xi32, #tpu.memory_space<vmem>>) semaphore(%arg9 : memref<!tpu.dma_semaphore, #tpu.memory_space<semaphore_mem>>)
      %dma_start3A_150 = arith.constant 9 : i32
      %dma_start3A_151 = arith.constant 1152 : i32
      %dma_start3A_152 = tpu.memref_slice %arg7[%dma_start3A_151] : memref<2560xi32, #tpu.memory_space<vmem>> -> memref<128xi32, #tpu.memory_space<vmem>>
      %dma_start3A_153 = arith.constant 0 : i32
      %dma_start3A_154 = tpu.memref_slice %arg6[%dma_start3A_150, %dma_start3A_153] : memref<20x128xi32, #tpu.memory_space<vmem>> -> memref<1x128xi32, #tpu.memory_space<vmem>>
      %dma_start3A_155 = tpu.memref_squeeze %dma_start3A_154 : memref<1x128xi32, #tpu.memory_space<vmem>> -> memref<128xi32, #tpu.memory_space<vmem>>
      %dma_start3A_156 = arith.constant 0 : i32
      %dma_start3A_157 = tpu.memref_slice %arg3[%dma_start3A_156] : memref<100000000xi32, #tpu.memory_space<hbm>> -> memref<100000000xi32, #tpu.memory_space<hbm>>
      tpu.enqueue_indirect_dma source(%dma_start3A_157 : memref<100000000xi32, #tpu.memory_space<hbm>>) target(%dma_start3A_152 : memref<128xi32, #tpu.memory_space<vmem>>) offsets(%dma_start3A_155 : memref<128xi32, #tpu.memory_space<vmem>>) semaphore(%arg9 : memref<!tpu.dma_semaphore, #tpu.memory_space<semaphore_mem>>)
      %dma_start3A_158 = arith.constant 10 : i32
      %dma_start3A_159 = arith.constant 1280 : i32
      %dma_start3A_160 = tpu.memref_slice %arg7[%dma_start3A_159] : memref<2560xi32, #tpu.memory_space<vmem>> -> memref<128xi32, #tpu.memory_space<vmem>>
      %dma_start3A_161 = arith.constant 0 : i32
      %dma_start3A_162 = tpu.memref_slice %arg6[%dma_start3A_158, %dma_start3A_161] : memref<20x128xi32, #tpu.memory_space<vmem>> -> memref<1x128xi32, #tpu.memory_space<vmem>>
      %dma_start3A_163 = tpu.memref_squeeze %dma_start3A_162 : memref<1x128xi32, #tpu.memory_space<vmem>> -> memref<128xi32, #tpu.memory_space<vmem>>
      %dma_start3A_164 = arith.constant 0 : i32
      %dma_start3A_165 = tpu.memref_slice %arg3[%dma_start3A_164] : memref<100000000xi32, #tpu.memory_space<hbm>> -> memref<100000000xi32, #tpu.memory_space<hbm>>
      tpu.enqueue_indirect_dma source(%dma_start3A_165 : memref<100000000xi32, #tpu.memory_space<hbm>>) target(%dma_start3A_160 : memref<128xi32, #tpu.memory_space<vmem>>) offsets(%dma_start3A_163 : memref<128xi32, #tpu.memory_space<vmem>>) semaphore(%arg9 : memref<!tpu.dma_semaphore, #tpu.memory_space<semaphore_mem>>)
      %dma_start3A_166 = arith.constant 11 : i32
      %dma_start3A_167 = arith.constant 1408 : i32
      %dma_start3A_168 = tpu.memref_slice %arg7[%dma_start3A_167] : memref<2560xi32, #tpu.memory_space<vmem>> -> memref<128xi32, #tpu.memory_space<vmem>>
      %dma_start3A_169 = arith.constant 0 : i32
      %dma_start3A_170 = tpu.memref_slice %arg6[%dma_start3A_166, %dma_start3A_169] : memref<20x128xi32, #tpu.memory_space<vmem>> -> memref<1x128xi32, #tpu.memory_space<vmem>>
      %dma_start3A_171 = tpu.memref_squeeze %dma_start3A_170 : memref<1x128xi32, #tpu.memory_space<vmem>> -> memref<128xi32, #tpu.memory_space<vmem>>
      %dma_start3A_172 = arith.constant 0 : i32
      %dma_start3A_173 = tpu.memref_slice %arg3[%dma_start3A_172] : memref<100000000xi32, #tpu.memory_space<hbm>> -> memref<100000000xi32, #tpu.memory_space<hbm>>
      tpu.enqueue_indirect_dma source(%dma_start3A_173 : memref<100000000xi32, #tpu.memory_space<hbm>>) target(%dma_start3A_168 : memref<128xi32, #tpu.memory_space<vmem>>) offsets(%dma_start3A_171 : memref<128xi32, #tpu.memory_space<vmem>>) semaphore(%arg9 : memref<!tpu.dma_semaphore, #tpu.memory_space<semaphore_mem>>)
      %dma_start3A_174 = arith.constant 12 : i32
      %dma_start3A_175 = arith.constant 1536 : i32
      %dma_start3A_176 = tpu.memref_slice %arg7[%dma_start3A_175] : memref<2560xi32, #tpu.memory_space<vmem>> -> memref<128xi32, #tpu.memory_space<vmem>>
      %dma_start3A_177 = arith.constant 0 : i32
      %dma_start3A_178 = tpu.memref_slice %arg6[%dma_start3A_174, %dma_start3A_177] : memref<20x128xi32, #tpu.memory_space<vmem>> -> memref<1x128xi32, #tpu.memory_space<vmem>>
      %dma_start3A_179 = tpu.memref_squeeze %dma_start3A_178 : memref<1x128xi32, #tpu.memory_space<vmem>> -> memref<128xi32, #tpu.memory_space<vmem>>
      %dma_start3A_180 = arith.constant 0 : i32
      %dma_start3A_181 = tpu.memref_slice %arg3[%dma_start3A_180] : memref<100000000xi32, #tpu.memory_space<hbm>> -> memref<100000000xi32, #tpu.memory_space<hbm>>
      tpu.enqueue_indirect_dma source(%dma_start3A_181 : memref<100000000xi32, #tpu.memory_space<hbm>>) target(%dma_start3A_176 : memref<128xi32, #tpu.memory_space<vmem>>) offsets(%dma_start3A_179 : memref<128xi32, #tpu.memory_space<vmem>>) semaphore(%arg9 : memref<!tpu.dma_semaphore, #tpu.memory_space<semaphore_mem>>)
      %dma_start3A_182 = arith.constant 13 : i32
      %dma_start3A_183 = arith.constant 1664 : i32
      %dma_start3A_184 = tpu.memref_slice %arg7[%dma_start3A_183] : memref<2560xi32, #tpu.memory_space<vmem>> -> memref<128xi32, #tpu.memory_space<vmem>>
      %dma_start3A_185 = arith.constant 0 : i32
      %dma_start3A_186 = tpu.memref_slice %arg6[%dma_start3A_182, %dma_start3A_185] : memref<20x128xi32, #tpu.memory_space<vmem>> -> memref<1x128xi32, #tpu.memory_space<vmem>>
      %dma_start3A_187 = tpu.memref_squeeze %dma_start3A_186 : memref<1x128xi32, #tpu.memory_space<vmem>> -> memref<128xi32, #tpu.memory_space<vmem>>
      %dma_start3A_188 = arith.constant 0 : i32
      %dma_start3A_189 = tpu.memref_slice %arg3[%dma_start3A_188] : memref<100000000xi32, #tpu.memory_space<hbm>> -> memref<100000000xi32, #tpu.memory_space<hbm>>
      tpu.enqueue_indirect_dma source(%dma_start3A_189 : memref<100000000xi32, #tpu.memory_space<hbm>>) target(%dma_start3A_184 : memref<128xi32, #tpu.memory_space<vmem>>) offsets(%dma_start3A_187 : memref<128xi32, #tpu.memory_space<vmem>>) semaphore(%arg9 : memref<!tpu.dma_semaphore, #tpu.memory_space<semaphore_mem>>)
      %dma_start3A_190 = arith.constant 14 : i32
      %dma_start3A_191 = arith.constant 1792 : i32
      %dma_start3A_192 = tpu.memref_slice %arg7[%dma_start3A_191] : memref<2560xi32, #tpu.memory_space<vmem>> -> memref<128xi32, #tpu.memory_space<vmem>>
      %dma_start3A_193 = arith.constant 0 : i32
      %dma_start3A_194 = tpu.memref_slice %arg6[%dma_start3A_190, %dma_start3A_193] : memref<20x128xi32, #tpu.memory_space<vmem>> -> memref<1x128xi32, #tpu.memory_space<vmem>>
      %dma_start3A_195 = tpu.memref_squeeze %dma_start3A_194 : memref<1x128xi32, #tpu.memory_space<vmem>> -> memref<128xi32, #tpu.memory_space<vmem>>
      %dma_start3A_196 = arith.constant 0 : i32
      %dma_start3A_197 = tpu.memref_slice %arg3[%dma_start3A_196] : memref<100000000xi32, #tpu.memory_space<hbm>> -> memref<100000000xi32, #tpu.memory_space<hbm>>
      tpu.enqueue_indirect_dma source(%dma_start3A_197 : memref<100000000xi32, #tpu.memory_space<hbm>>) target(%dma_start3A_192 : memref<128xi32, #tpu.memory_space<vmem>>) offsets(%dma_start3A_195 : memref<128xi32, #tpu.memory_space<vmem>>) semaphore(%arg9 : memref<!tpu.dma_semaphore, #tpu.memory_space<semaphore_mem>>)
      %dma_start3A_198 = arith.constant 15 : i32
      %dma_start3A_199 = arith.constant 1920 : i32
      %dma_start3A_200 = tpu.memref_slice %arg7[%dma_start3A_199] : memref<2560xi32, #tpu.memory_space<vmem>> -> memref<128xi32, #tpu.memory_space<vmem>>
      %dma_start3A_201 = arith.constant 0 : i32
      %dma_start3A_202 = tpu.memref_slice %arg6[%dma_start3A_198, %dma_start3A_201] : memref<20x128xi32, #tpu.memory_space<vmem>> -> memref<1x128xi32, #tpu.memory_space<vmem>>
      %dma_start3A_203 = tpu.memref_squeeze %dma_start3A_202 : memref<1x128xi32, #tpu.memory_space<vmem>> -> memref<128xi32, #tpu.memory_space<vmem>>
      %dma_start3A_204 = arith.constant 0 : i32
      %dma_start3A_205 = tpu.memref_slice %arg3[%dma_start3A_204] : memref<100000000xi32, #tpu.memory_space<hbm>> -> memref<100000000xi32, #tpu.memory_space<hbm>>
      tpu.enqueue_indirect_dma source(%dma_start3A_205 : memref<100000000xi32, #tpu.memory_space<hbm>>) target(%dma_start3A_200 : memref<128xi32, #tpu.memory_space<vmem>>) offsets(%dma_start3A_203 : memref<128xi32, #tpu.memory_space<vmem>>) semaphore(%arg9 : memref<!tpu.dma_semaphore, #tpu.memory_space<semaphore_mem>>)
      %dma_start3A_206 = arith.constant 16 : i32
      %dma_start3A_207 = arith.constant 2048 : i32
      %dma_start3A_208 = tpu.memref_slice %arg7[%dma_start3A_207] : memref<2560xi32, #tpu.memory_space<vmem>> -> memref<128xi32, #tpu.memory_space<vmem>>
      %dma_start3A_209 = arith.constant 0 : i32
      %dma_start3A_210 = tpu.memref_slice %arg6[%dma_start3A_206, %dma_start3A_209] : memref<20x128xi32, #tpu.memory_space<vmem>> -> memref<1x128xi32, #tpu.memory_space<vmem>>
      %dma_start3A_211 = tpu.memref_squeeze %dma_start3A_210 : memref<1x128xi32, #tpu.memory_space<vmem>> -> memref<128xi32, #tpu.memory_space<vmem>>
      %dma_start3A_212 = arith.constant 0 : i32
      %dma_start3A_213 = tpu.memref_slice %arg3[%dma_start3A_212] : memref<100000000xi32, #tpu.memory_space<hbm>> -> memref<100000000xi32, #tpu.memory_space<hbm>>
      tpu.enqueue_indirect_dma source(%dma_start3A_213 : memref<100000000xi32, #tpu.memory_space<hbm>>) target(%dma_start3A_208 : memref<128xi32, #tpu.memory_space<vmem>>) offsets(%dma_start3A_211 : memref<128xi32, #tpu.memory_space<vmem>>) semaphore(%arg9 : memref<!tpu.dma_semaphore, #tpu.memory_space<semaphore_mem>>)
      %dma_start3A_214 = arith.constant 17 : i32
      %dma_start3A_215 = arith.constant 2176 : i32
      %dma_start3A_216 = tpu.memref_slice %arg7[%dma_start3A_215] : memref<2560xi32, #tpu.memory_space<vmem>> -> memref<128xi32, #tpu.memory_space<vmem>>
      %dma_start3A_217 = arith.constant 0 : i32
      %dma_start3A_218 = tpu.memref_slice %arg6[%dma_start3A_214, %dma_start3A_217] : memref<20x128xi32, #tpu.memory_space<vmem>> -> memref<1x128xi32, #tpu.memory_space<vmem>>
      %dma_start3A_219 = tpu.memref_squeeze %dma_start3A_218 : memref<1x128xi32, #tpu.memory_space<vmem>> -> memref<128xi32, #tpu.memory_space<vmem>>
      %dma_start3A_220 = arith.constant 0 : i32
      %dma_start3A_221 = tpu.memref_slice %arg3[%dma_start3A_220] : memref<100000000xi32, #tpu.memory_space<hbm>> -> memref<100000000xi32, #tpu.memory_space<hbm>>
      tpu.enqueue_indirect_dma source(%dma_start3A_221 : memref<100000000xi32, #tpu.memory_space<hbm>>) target(%dma_start3A_216 : memref<128xi32, #tpu.memory_space<vmem>>) offsets(%dma_start3A_219 : memref<128xi32, #tpu.memory_space<vmem>>) semaphore(%arg9 : memref<!tpu.dma_semaphore, #tpu.memory_space<semaphore_mem>>)
      %dma_start3A_222 = arith.constant 18 : i32
      %dma_start3A_223 = arith.constant 2304 : i32
      %dma_start3A_224 = tpu.memref_slice %arg7[%dma_start3A_223] : memref<2560xi32, #tpu.memory_space<vmem>> -> memref<128xi32, #tpu.memory_space<vmem>>
      %dma_start3A_225 = arith.constant 0 : i32
      %dma_start3A_226 = tpu.memref_slice %arg6[%dma_start3A_222, %dma_start3A_225] : memref<20x128xi32, #tpu.memory_space<vmem>> -> memref<1x128xi32, #tpu.memory_space<vmem>>
      %dma_start3A_227 = tpu.memref_squeeze %dma_start3A_226 : memref<1x128xi32, #tpu.memory_space<vmem>> -> memref<128xi32, #tpu.memory_space<vmem>>
      %dma_start3A_228 = arith.constant 0 : i32
      %dma_start3A_229 = tpu.memref_slice %arg3[%dma_start3A_228] : memref<100000000xi32, #tpu.memory_space<hbm>> -> memref<100000000xi32, #tpu.memory_space<hbm>>
      tpu.enqueue_indirect_dma source(%dma_start3A_229 : memref<100000000xi32, #tpu.memory_space<hbm>>) target(%dma_start3A_224 : memref<128xi32, #tpu.memory_space<vmem>>) offsets(%dma_start3A_227 : memref<128xi32, #tpu.memory_space<vmem>>) semaphore(%arg9 : memref<!tpu.dma_semaphore, #tpu.memory_space<semaphore_mem>>)
      %dma_start3A_230 = arith.constant 19 : i32
      %dma_start3A_231 = arith.constant 2432 : i32
      %dma_start3A_232 = tpu.memref_slice %arg7[%dma_start3A_231] : memref<2560xi32, #tpu.memory_space<vmem>> -> memref<128xi32, #tpu.memory_space<vmem>>
      %dma_start3A_233 = arith.constant 0 : i32
      %dma_start3A_234 = tpu.memref_slice %arg6[%dma_start3A_230, %dma_start3A_233] : memref<20x128xi32, #tpu.memory_space<vmem>> -> memref<1x128xi32, #tpu.memory_space<vmem>>
      %dma_start3A_235 = tpu.memref_squeeze %dma_start3A_234 : memref<1x128xi32, #tpu.memory_space<vmem>> -> memref<128xi32, #tpu.memory_space<vmem>>
      %dma_start3A_236 = arith.constant 0 : i32
      %dma_start3A_237 = tpu.memref_slice %arg3[%dma_start3A_236] : memref<100000000xi32, #tpu.memory_space<hbm>> -> memref<100000000xi32, #tpu.memory_space<hbm>>
      tpu.enqueue_indirect_dma source(%dma_start3A_237 : memref<100000000xi32, #tpu.memory_space<hbm>>) target(%dma_start3A_232 : memref<128xi32, #tpu.memory_space<vmem>>) offsets(%dma_start3A_235 : memref<128xi32, #tpu.memory_space<vmem>>) semaphore(%arg9 : memref<!tpu.dma_semaphore, #tpu.memory_space<semaphore_mem>>)
      %dma_wait3A = arith.constant 0 : i32
      %dma_wait3A_238 = arith.constant 0 : i32
      %dma_wait3A_239 = tpu.memref_slice %arg7[%dma_wait3A_238] : memref<2560xi32, #tpu.memory_space<vmem>> -> memref<128xi32, #tpu.memory_space<vmem>>
      %dma_wait3A_240 = arith.constant 0 : i32
      %dma_wait3A_241 = tpu.memref_slice %arg6[%dma_wait3A, %dma_wait3A_240] : memref<20x128xi32, #tpu.memory_space<vmem>> -> memref<1x128xi32, #tpu.memory_space<vmem>>
      %dma_wait3A_242 = tpu.memref_squeeze %dma_wait3A_241 : memref<1x128xi32, #tpu.memory_space<vmem>> -> memref<128xi32, #tpu.memory_space<vmem>>
      %dma_wait3A_243 = arith.constant 0 : i32
      %dma_wait3A_244 = tpu.memref_slice %arg3[%dma_wait3A_243] : memref<100000000xi32, #tpu.memory_space<hbm>> -> memref<100000000xi32, #tpu.memory_space<hbm>>
      tpu.wait_indirect_dma semaphore(%arg9 : memref<!tpu.dma_semaphore, #tpu.memory_space<semaphore_mem>>) src(%dma_wait3A_244 : memref<100000000xi32, #tpu.memory_space<hbm>>) dst(%dma_wait3A_239 : memref<128xi32, #tpu.memory_space<vmem>>)
      %dma_wait3A_245 = arith.constant 1 : i32
      %dma_wait3A_246 = arith.constant 128 : i32
      %dma_wait3A_247 = tpu.memref_slice %arg7[%dma_wait3A_246] : memref<2560xi32, #tpu.memory_space<vmem>> -> memref<128xi32, #tpu.memory_space<vmem>>
      %dma_wait3A_248 = arith.constant 0 : i32
      %dma_wait3A_249 = tpu.memref_slice %arg6[%dma_wait3A_245, %dma_wait3A_248] : memref<20x128xi32, #tpu.memory_space<vmem>> -> memref<1x128xi32, #tpu.memory_space<vmem>>
      %dma_wait3A_250 = tpu.memref_squeeze %dma_wait3A_249 : memref<1x128xi32, #tpu.memory_space<vmem>> -> memref<128xi32, #tpu.memory_space<vmem>>
      %dma_wait3A_251 = arith.constant 0 : i32
      %dma_wait3A_252 = tpu.memref_slice %arg3[%dma_wait3A_251] : memref<100000000xi32, #tpu.memory_space<hbm>> -> memref<100000000xi32, #tpu.memory_space<hbm>>
      tpu.wait_indirect_dma semaphore(%arg9 : memref<!tpu.dma_semaphore, #tpu.memory_space<semaphore_mem>>) src(%dma_wait3A_252 : memref<100000000xi32, #tpu.memory_space<hbm>>) dst(%dma_wait3A_247 : memref<128xi32, #tpu.memory_space<vmem>>)
      %dma_wait3A_253 = arith.constant 2 : i32
      %dma_wait3A_254 = arith.constant 256 : i32
      %dma_wait3A_255 = tpu.memref_slice %arg7[%dma_wait3A_254] : memref<2560xi32, #tpu.memory_space<vmem>> -> memref<128xi32, #tpu.memory_space<vmem>>
      %dma_wait3A_256 = arith.constant 0 : i32
      %dma_wait3A_257 = tpu.memref_slice %arg6[%dma_wait3A_253, %dma_wait3A_256] : memref<20x128xi32, #tpu.memory_space<vmem>> -> memref<1x128xi32, #tpu.memory_space<vmem>>
      %dma_wait3A_258 = tpu.memref_squeeze %dma_wait3A_257 : memref<1x128xi32, #tpu.memory_space<vmem>> -> memref<128xi32, #tpu.memory_space<vmem>>
      %dma_wait3A_259 = arith.constant 0 : i32
      %dma_wait3A_260 = tpu.memref_slice %arg3[%dma_wait3A_259] : memref<100000000xi32, #tpu.memory_space<hbm>> -> memref<100000000xi32, #tpu.memory_space<hbm>>
      tpu.wait_indirect_dma semaphore(%arg9 : memref<!tpu.dma_semaphore, #tpu.memory_space<semaphore_mem>>) src(%dma_wait3A_260 : memref<100000000xi32, #tpu.memory_space<hbm>>) dst(%dma_wait3A_255 : memref<128xi32, #tpu.memory_space<vmem>>)
      %dma_wait3A_261 = arith.constant 3 : i32
      %dma_wait3A_262 = arith.constant 384 : i32
      %dma_wait3A_263 = tpu.memref_slice %arg7[%dma_wait3A_262] : memref<2560xi32, #tpu.memory_space<vmem>> -> memref<128xi32, #tpu.memory_space<vmem>>
      %dma_wait3A_264 = arith.constant 0 : i32
      %dma_wait3A_265 = tpu.memref_slice %arg6[%dma_wait3A_261, %dma_wait3A_264] : memref<20x128xi32, #tpu.memory_space<vmem>> -> memref<1x128xi32, #tpu.memory_space<vmem>>
      %dma_wait3A_266 = tpu.memref_squeeze %dma_wait3A_265 : memref<1x128xi32, #tpu.memory_space<vmem>> -> memref<128xi32, #tpu.memory_space<vmem>>
      %dma_wait3A_267 = arith.constant 0 : i32
      %dma_wait3A_268 = tpu.memref_slice %arg3[%dma_wait3A_267] : memref<100000000xi32, #tpu.memory_space<hbm>> -> memref<100000000xi32, #tpu.memory_space<hbm>>
      tpu.wait_indirect_dma semaphore(%arg9 : memref<!tpu.dma_semaphore, #tpu.memory_space<semaphore_mem>>) src(%dma_wait3A_268 : memref<100000000xi32, #tpu.memory_space<hbm>>) dst(%dma_wait3A_263 : memref<128xi32, #tpu.memory_space<vmem>>)
      %dma_wait3A_269 = arith.constant 4 : i32
      %dma_wait3A_270 = arith.constant 512 : i32
      %dma_wait3A_271 = tpu.memref_slice %arg7[%dma_wait3A_270] : memref<2560xi32, #tpu.memory_space<vmem>> -> memref<128xi32, #tpu.memory_space<vmem>>
      %dma_wait3A_272 = arith.constant 0 : i32
      %dma_wait3A_273 = tpu.memref_slice %arg6[%dma_wait3A_269, %dma_wait3A_272] : memref<20x128xi32, #tpu.memory_space<vmem>> -> memref<1x128xi32, #tpu.memory_space<vmem>>
      %dma_wait3A_274 = tpu.memref_squeeze %dma_wait3A_273 : memref<1x128xi32, #tpu.memory_space<vmem>> -> memref<128xi32, #tpu.memory_space<vmem>>
      %dma_wait3A_275 = arith.constant 0 : i32
      %dma_wait3A_276 = tpu.memref_slice %arg3[%dma_wait3A_275] : memref<100000000xi32, #tpu.memory_space<hbm>> -> memref<100000000xi32, #tpu.memory_space<hbm>>
      tpu.wait_indirect_dma semaphore(%arg9 : memref<!tpu.dma_semaphore, #tpu.memory_space<semaphore_mem>>) src(%dma_wait3A_276 : memref<100000000xi32, #tpu.memory_space<hbm>>) dst(%dma_wait3A_271 : memref<128xi32, #tpu.memory_space<vmem>>)
      %dma_wait3A_277 = arith.constant 5 : i32
      %dma_wait3A_278 = arith.constant 640 : i32
      %dma_wait3A_279 = tpu.memref_slice %arg7[%dma_wait3A_278] : memref<2560xi32, #tpu.memory_space<vmem>> -> memref<128xi32, #tpu.memory_space<vmem>>
      %dma_wait3A_280 = arith.constant 0 : i32
      %dma_wait3A_281 = tpu.memref_slice %arg6[%dma_wait3A_277, %dma_wait3A_280] : memref<20x128xi32, #tpu.memory_space<vmem>> -> memref<1x128xi32, #tpu.memory_space<vmem>>
      %dma_wait3A_282 = tpu.memref_squeeze %dma_wait3A_281 : memref<1x128xi32, #tpu.memory_space<vmem>> -> memref<128xi32, #tpu.memory_space<vmem>>
      %dma_wait3A_283 = arith.constant 0 : i32
      %dma_wait3A_284 = tpu.memref_slice %arg3[%dma_wait3A_283] : memref<100000000xi32, #tpu.memory_space<hbm>> -> memref<100000000xi32, #tpu.memory_space<hbm>>
      tpu.wait_indirect_dma semaphore(%arg9 : memref<!tpu.dma_semaphore, #tpu.memory_space<semaphore_mem>>) src(%dma_wait3A_284 : memref<100000000xi32, #tpu.memory_space<hbm>>) dst(%dma_wait3A_279 : memref<128xi32, #tpu.memory_space<vmem>>)
      %dma_wait3A_285 = arith.constant 6 : i32
      %dma_wait3A_286 = arith.constant 768 : i32
      %dma_wait3A_287 = tpu.memref_slice %arg7[%dma_wait3A_286] : memref<2560xi32, #tpu.memory_space<vmem>> -> memref<128xi32, #tpu.memory_space<vmem>>
      %dma_wait3A_288 = arith.constant 0 : i32
      %dma_wait3A_289 = tpu.memref_slice %arg6[%dma_wait3A_285, %dma_wait3A_288] : memref<20x128xi32, #tpu.memory_space<vmem>> -> memref<1x128xi32, #tpu.memory_space<vmem>>
      %dma_wait3A_290 = tpu.memref_squeeze %dma_wait3A_289 : memref<1x128xi32, #tpu.memory_space<vmem>> -> memref<128xi32, #tpu.memory_space<vmem>>
      %dma_wait3A_291 = arith.constant 0 : i32
      %dma_wait3A_292 = tpu.memref_slice %arg3[%dma_wait3A_291] : memref<100000000xi32, #tpu.memory_space<hbm>> -> memref<100000000xi32, #tpu.memory_space<hbm>>
      tpu.wait_indirect_dma semaphore(%arg9 : memref<!tpu.dma_semaphore, #tpu.memory_space<semaphore_mem>>) src(%dma_wait3A_292 : memref<100000000xi32, #tpu.memory_space<hbm>>) dst(%dma_wait3A_287 : memref<128xi32, #tpu.memory_space<vmem>>)
      %dma_wait3A_293 = arith.constant 7 : i32
      %dma_wait3A_294 = arith.constant 896 : i32
      %dma_wait3A_295 = tpu.memref_slice %arg7[%dma_wait3A_294] : memref<2560xi32, #tpu.memory_space<vmem>> -> memref<128xi32, #tpu.memory_space<vmem>>
      %dma_wait3A_296 = arith.constant 0 : i32
      %dma_wait3A_297 = tpu.memref_slice %arg6[%dma_wait3A_293, %dma_wait3A_296] : memref<20x128xi32, #tpu.memory_space<vmem>> -> memref<1x128xi32, #tpu.memory_space<vmem>>
      %dma_wait3A_298 = tpu.memref_squeeze %dma_wait3A_297 : memref<1x128xi32, #tpu.memory_space<vmem>> -> memref<128xi32, #tpu.memory_space<vmem>>
      %dma_wait3A_299 = arith.constant 0 : i32
      %dma_wait3A_300 = tpu.memref_slice %arg3[%dma_wait3A_299] : memref<100000000xi32, #tpu.memory_space<hbm>> -> memref<100000000xi32, #tpu.memory_space<hbm>>
      tpu.wait_indirect_dma semaphore(%arg9 : memref<!tpu.dma_semaphore, #tpu.memory_space<semaphore_mem>>) src(%dma_wait3A_300 : memref<100000000xi32, #tpu.memory_space<hbm>>) dst(%dma_wait3A_295 : memref<128xi32, #tpu.memory_space<vmem>>)
      %dma_wait3A_301 = arith.constant 8 : i32
      %dma_wait3A_302 = arith.constant 1024 : i32
      %dma_wait3A_303 = tpu.memref_slice %arg7[%dma_wait3A_302] : memref<2560xi32, #tpu.memory_space<vmem>> -> memref<128xi32, #tpu.memory_space<vmem>>
      %dma_wait3A_304 = arith.constant 0 : i32
      %dma_wait3A_305 = tpu.memref_slice %arg6[%dma_wait3A_301, %dma_wait3A_304] : memref<20x128xi32, #tpu.memory_space<vmem>> -> memref<1x128xi32, #tpu.memory_space<vmem>>
      %dma_wait3A_306 = tpu.memref_squeeze %dma_wait3A_305 : memref<1x128xi32, #tpu.memory_space<vmem>> -> memref<128xi32, #tpu.memory_space<vmem>>
      %dma_wait3A_307 = arith.constant 0 : i32
      %dma_wait3A_308 = tpu.memref_slice %arg3[%dma_wait3A_307] : memref<100000000xi32, #tpu.memory_space<hbm>> -> memref<100000000xi32, #tpu.memory_space<hbm>>
      tpu.wait_indirect_dma semaphore(%arg9 : memref<!tpu.dma_semaphore, #tpu.memory_space<semaphore_mem>>) src(%dma_wait3A_308 : memref<100000000xi32, #tpu.memory_space<hbm>>) dst(%dma_wait3A_303 : memref<128xi32, #tpu.memory_space<vmem>>)
      %dma_wait3A_309 = arith.constant 9 : i32
      %dma_wait3A_310 = arith.constant 1152 : i32
      %dma_wait3A_311 = tpu.memref_slice %arg7[%dma_wait3A_310] : memref<2560xi32, #tpu.memory_space<vmem>> -> memref<128xi32, #tpu.memory_space<vmem>>
      %dma_wait3A_312 = arith.constant 0 : i32
      %dma_wait3A_313 = tpu.memref_slice %arg6[%dma_wait3A_309, %dma_wait3A_312] : memref<20x128xi32, #tpu.memory_space<vmem>> -> memref<1x128xi32, #tpu.memory_space<vmem>>
      %dma_wait3A_314 = tpu.memref_squeeze %dma_wait3A_313 : memref<1x128xi32, #tpu.memory_space<vmem>> -> memref<128xi32, #tpu.memory_space<vmem>>
      %dma_wait3A_315 = arith.constant 0 : i32
      %dma_wait3A_316 = tpu.memref_slice %arg3[%dma_wait3A_315] : memref<100000000xi32, #tpu.memory_space<hbm>> -> memref<100000000xi32, #tpu.memory_space<hbm>>
      tpu.wait_indirect_dma semaphore(%arg9 : memref<!tpu.dma_semaphore, #tpu.memory_space<semaphore_mem>>) src(%dma_wait3A_316 : memref<100000000xi32, #tpu.memory_space<hbm>>) dst(%dma_wait3A_311 : memref<128xi32, #tpu.memory_space<vmem>>)
      %dma_wait3A_317 = arith.constant 10 : i32
      %dma_wait3A_318 = arith.constant 1280 : i32
      %dma_wait3A_319 = tpu.memref_slice %arg7[%dma_wait3A_318] : memref<2560xi32, #tpu.memory_space<vmem>> -> memref<128xi32, #tpu.memory_space<vmem>>
      %dma_wait3A_320 = arith.constant 0 : i32
      %dma_wait3A_321 = tpu.memref_slice %arg6[%dma_wait3A_317, %dma_wait3A_320] : memref<20x128xi32, #tpu.memory_space<vmem>> -> memref<1x128xi32, #tpu.memory_space<vmem>>
      %dma_wait3A_322 = tpu.memref_squeeze %dma_wait3A_321 : memref<1x128xi32, #tpu.memory_space<vmem>> -> memref<128xi32, #tpu.memory_space<vmem>>
      %dma_wait3A_323 = arith.constant 0 : i32
      %dma_wait3A_324 = tpu.memref_slice %arg3[%dma_wait3A_323] : memref<100000000xi32, #tpu.memory_space<hbm>> -> memref<100000000xi32, #tpu.memory_space<hbm>>
      tpu.wait_indirect_dma semaphore(%arg9 : memref<!tpu.dma_semaphore, #tpu.memory_space<semaphore_mem>>) src(%dma_wait3A_324 : memref<100000000xi32, #tpu.memory_space<hbm>>) dst(%dma_wait3A_319 : memref<128xi32, #tpu.memory_space<vmem>>)
      %dma_wait3A_325 = arith.constant 11 : i32
      %dma_wait3A_326 = arith.constant 1408 : i32
      %dma_wait3A_327 = tpu.memref_slice %arg7[%dma_wait3A_326] : memref<2560xi32, #tpu.memory_space<vmem>> -> memref<128xi32, #tpu.memory_space<vmem>>
      %dma_wait3A_328 = arith.constant 0 : i32
      %dma_wait3A_329 = tpu.memref_slice %arg6[%dma_wait3A_325, %dma_wait3A_328] : memref<20x128xi32, #tpu.memory_space<vmem>> -> memref<1x128xi32, #tpu.memory_space<vmem>>
      %dma_wait3A_330 = tpu.memref_squeeze %dma_wait3A_329 : memref<1x128xi32, #tpu.memory_space<vmem>> -> memref<128xi32, #tpu.memory_space<vmem>>
      %dma_wait3A_331 = arith.constant 0 : i32
      %dma_wait3A_332 = tpu.memref_slice %arg3[%dma_wait3A_331] : memref<100000000xi32, #tpu.memory_space<hbm>> -> memref<100000000xi32, #tpu.memory_space<hbm>>
      tpu.wait_indirect_dma semaphore(%arg9 : memref<!tpu.dma_semaphore, #tpu.memory_space<semaphore_mem>>) src(%dma_wait3A_332 : memref<100000000xi32, #tpu.memory_space<hbm>>) dst(%dma_wait3A_327 : memref<128xi32, #tpu.memory_space<vmem>>)
      %dma_wait3A_333 = arith.constant 12 : i32
      %dma_wait3A_334 = arith.constant 1536 : i32
      %dma_wait3A_335 = tpu.memref_slice %arg7[%dma_wait3A_334] : memref<2560xi32, #tpu.memory_space<vmem>> -> memref<128xi32, #tpu.memory_space<vmem>>
      %dma_wait3A_336 = arith.constant 0 : i32
      %dma_wait3A_337 = tpu.memref_slice %arg6[%dma_wait3A_333, %dma_wait3A_336] : memref<20x128xi32, #tpu.memory_space<vmem>> -> memref<1x128xi32, #tpu.memory_space<vmem>>
      %dma_wait3A_338 = tpu.memref_squeeze %dma_wait3A_337 : memref<1x128xi32, #tpu.memory_space<vmem>> -> memref<128xi32, #tpu.memory_space<vmem>>
      %dma_wait3A_339 = arith.constant 0 : i32
      %dma_wait3A_340 = tpu.memref_slice %arg3[%dma_wait3A_339] : memref<100000000xi32, #tpu.memory_space<hbm>> -> memref<100000000xi32, #tpu.memory_space<hbm>>
      tpu.wait_indirect_dma semaphore(%arg9 : memref<!tpu.dma_semaphore, #tpu.memory_space<semaphore_mem>>) src(%dma_wait3A_340 : memref<100000000xi32, #tpu.memory_space<hbm>>) dst(%dma_wait3A_335 : memref<128xi32, #tpu.memory_space<vmem>>)
      %dma_wait3A_341 = arith.constant 13 : i32
      %dma_wait3A_342 = arith.constant 1664 : i32
      %dma_wait3A_343 = tpu.memref_slice %arg7[%dma_wait3A_342] : memref<2560xi32, #tpu.memory_space<vmem>> -> memref<128xi32, #tpu.memory_space<vmem>>
      %dma_wait3A_344 = arith.constant 0 : i32
      %dma_wait3A_345 = tpu.memref_slice %arg6[%dma_wait3A_341, %dma_wait3A_344] : memref<20x128xi32, #tpu.memory_space<vmem>> -> memref<1x128xi32, #tpu.memory_space<vmem>>
      %dma_wait3A_346 = tpu.memref_squeeze %dma_wait3A_345 : memref<1x128xi32, #tpu.memory_space<vmem>> -> memref<128xi32, #tpu.memory_space<vmem>>
      %dma_wait3A_347 = arith.constant 0 : i32
      %dma_wait3A_348 = tpu.memref_slice %arg3[%dma_wait3A_347] : memref<100000000xi32, #tpu.memory_space<hbm>> -> memref<100000000xi32, #tpu.memory_space<hbm>>
      tpu.wait_indirect_dma semaphore(%arg9 : memref<!tpu.dma_semaphore, #tpu.memory_space<semaphore_mem>>) src(%dma_wait3A_348 : memref<100000000xi32, #tpu.memory_space<hbm>>) dst(%dma_wait3A_343 : memref<128xi32, #tpu.memory_space<vmem>>)
      %dma_wait3A_349 = arith.constant 14 : i32
      %dma_wait3A_350 = arith.constant 1792 : i32
      %dma_wait3A_351 = tpu.memref_slice %arg7[%dma_wait3A_350] : memref<2560xi32, #tpu.memory_space<vmem>> -> memref<128xi32, #tpu.memory_space<vmem>>
      %dma_wait3A_352 = arith.constant 0 : i32
      %dma_wait3A_353 = tpu.memref_slice %arg6[%dma_wait3A_349, %dma_wait3A_352] : memref<20x128xi32, #tpu.memory_space<vmem>> -> memref<1x128xi32, #tpu.memory_space<vmem>>
      %dma_wait3A_354 = tpu.memref_squeeze %dma_wait3A_353 : memref<1x128xi32, #tpu.memory_space<vmem>> -> memref<128xi32, #tpu.memory_space<vmem>>
      %dma_wait3A_355 = arith.constant 0 : i32
      %dma_wait3A_356 = tpu.memref_slice %arg3[%dma_wait3A_355] : memref<100000000xi32, #tpu.memory_space<hbm>> -> memref<100000000xi32, #tpu.memory_space<hbm>>
      tpu.wait_indirect_dma semaphore(%arg9 : memref<!tpu.dma_semaphore, #tpu.memory_space<semaphore_mem>>) src(%dma_wait3A_356 : memref<100000000xi32, #tpu.memory_space<hbm>>) dst(%dma_wait3A_351 : memref<128xi32, #tpu.memory_space<vmem>>)
      %dma_wait3A_357 = arith.constant 15 : i32
      %dma_wait3A_358 = arith.constant 1920 : i32
      %dma_wait3A_359 = tpu.memref_slice %arg7[%dma_wait3A_358] : memref<2560xi32, #tpu.memory_space<vmem>> -> memref<128xi32, #tpu.memory_space<vmem>>
      %dma_wait3A_360 = arith.constant 0 : i32
      %dma_wait3A_361 = tpu.memref_slice %arg6[%dma_wait3A_357, %dma_wait3A_360] : memref<20x128xi32, #tpu.memory_space<vmem>> -> memref<1x128xi32, #tpu.memory_space<vmem>>
      %dma_wait3A_362 = tpu.memref_squeeze %dma_wait3A_361 : memref<1x128xi32, #tpu.memory_space<vmem>> -> memref<128xi32, #tpu.memory_space<vmem>>
      %dma_wait3A_363 = arith.constant 0 : i32
      %dma_wait3A_364 = tpu.memref_slice %arg3[%dma_wait3A_363] : memref<100000000xi32, #tpu.memory_space<hbm>> -> memref<100000000xi32, #tpu.memory_space<hbm>>
      tpu.wait_indirect_dma semaphore(%arg9 : memref<!tpu.dma_semaphore, #tpu.memory_space<semaphore_mem>>) src(%dma_wait3A_364 : memref<100000000xi32, #tpu.memory_space<hbm>>) dst(%dma_wait3A_359 : memref<128xi32, #tpu.memory_space<vmem>>)
      %dma_wait3A_365 = arith.constant 16 : i32
      %dma_wait3A_366 = arith.constant 2048 : i32
      %dma_wait3A_367 = tpu.memref_slice %arg7[%dma_wait3A_366] : memref<2560xi32, #tpu.memory_space<vmem>> -> memref<128xi32, #tpu.memory_space<vmem>>
      %dma_wait3A_368 = arith.constant 0 : i32
      %dma_wait3A_369 = tpu.memref_slice %arg6[%dma_wait3A_365, %dma_wait3A_368] : memref<20x128xi32, #tpu.memory_space<vmem>> -> memref<1x128xi32, #tpu.memory_space<vmem>>
      %dma_wait3A_370 = tpu.memref_squeeze %dma_wait3A_369 : memref<1x128xi32, #tpu.memory_space<vmem>> -> memref<128xi32, #tpu.memory_space<vmem>>
      %dma_wait3A_371 = arith.constant 0 : i32
      %dma_wait3A_372 = tpu.memref_slice %arg3[%dma_wait3A_371] : memref<100000000xi32, #tpu.memory_space<hbm>> -> memref<100000000xi32, #tpu.memory_space<hbm>>
      tpu.wait_indirect_dma semaphore(%arg9 : memref<!tpu.dma_semaphore, #tpu.memory_space<semaphore_mem>>) src(%dma_wait3A_372 : memref<100000000xi32, #tpu.memory_space<hbm>>) dst(%dma_wait3A_367 : memref<128xi32, #tpu.memory_space<vmem>>)
      %dma_wait3A_373 = arith.constant 17 : i32
      %dma_wait3A_374 = arith.constant 2176 : i32
      %dma_wait3A_375 = tpu.memref_slice %arg7[%dma_wait3A_374] : memref<2560xi32, #tpu.memory_space<vmem>> -> memref<128xi32, #tpu.memory_space<vmem>>
      %dma_wait3A_376 = arith.constant 0 : i32
      %dma_wait3A_377 = tpu.memref_slice %arg6[%dma_wait3A_373, %dma_wait3A_376] : memref<20x128xi32, #tpu.memory_space<vmem>> -> memref<1x128xi32, #tpu.memory_space<vmem>>
      %dma_wait3A_378 = tpu.memref_squeeze %dma_wait3A_377 : memref<1x128xi32, #tpu.memory_space<vmem>> -> memref<128xi32, #tpu.memory_space<vmem>>
      %dma_wait3A_379 = arith.constant 0 : i32
      %dma_wait3A_380 = tpu.memref_slice %arg3[%dma_wait3A_379] : memref<100000000xi32, #tpu.memory_space<hbm>> -> memref<100000000xi32, #tpu.memory_space<hbm>>
      tpu.wait_indirect_dma semaphore(%arg9 : memref<!tpu.dma_semaphore, #tpu.memory_space<semaphore_mem>>) src(%dma_wait3A_380 : memref<100000000xi32, #tpu.memory_space<hbm>>) dst(%dma_wait3A_375 : memref<128xi32, #tpu.memory_space<vmem>>)
      %dma_wait3A_381 = arith.constant 18 : i32
      %dma_wait3A_382 = arith.constant 2304 : i32
      %dma_wait3A_383 = tpu.memref_slice %arg7[%dma_wait3A_382] : memref<2560xi32, #tpu.memory_space<vmem>> -> memref<128xi32, #tpu.memory_space<vmem>>
      %dma_wait3A_384 = arith.constant 0 : i32
      %dma_wait3A_385 = tpu.memref_slice %arg6[%dma_wait3A_381, %dma_wait3A_384] : memref<20x128xi32, #tpu.memory_space<vmem>> -> memref<1x128xi32, #tpu.memory_space<vmem>>
      %dma_wait3A_386 = tpu.memref_squeeze %dma_wait3A_385 : memref<1x128xi32, #tpu.memory_space<vmem>> -> memref<128xi32, #tpu.memory_space<vmem>>
      %dma_wait3A_387 = arith.constant 0 : i32
      %dma_wait3A_388 = tpu.memref_slice %arg3[%dma_wait3A_387] : memref<100000000xi32, #tpu.memory_space<hbm>> -> memref<100000000xi32, #tpu.memory_space<hbm>>
      tpu.wait_indirect_dma semaphore(%arg9 : memref<!tpu.dma_semaphore, #tpu.memory_space<semaphore_mem>>) src(%dma_wait3A_388 : memref<100000000xi32, #tpu.memory_space<hbm>>) dst(%dma_wait3A_383 : memref<128xi32, #tpu.memory_space<vmem>>)
      %dma_wait3A_389 = arith.constant 19 : i32
      %dma_wait3A_390 = arith.constant 2432 : i32
      %dma_wait3A_391 = tpu.memref_slice %arg7[%dma_wait3A_390] : memref<2560xi32, #tpu.memory_space<vmem>> -> memref<128xi32, #tpu.memory_space<vmem>>
      %dma_wait3A_392 = arith.constant 0 : i32
      %dma_wait3A_393 = tpu.memref_slice %arg6[%dma_wait3A_389, %dma_wait3A_392] : memref<20x128xi32, #tpu.memory_space<vmem>> -> memref<1x128xi32, #tpu.memory_space<vmem>>
      %dma_wait3A_394 = tpu.memref_squeeze %dma_wait3A_393 : memref<1x128xi32, #tpu.memory_space<vmem>> -> memref<128xi32, #tpu.memory_space<vmem>>
      %dma_wait3A_395 = arith.constant 0 : i32
      %dma_wait3A_396 = tpu.memref_slice %arg3[%dma_wait3A_395] : memref<100000000xi32, #tpu.memory_space<hbm>> -> memref<100000000xi32, #tpu.memory_space<hbm>>
      tpu.wait_indirect_dma semaphore(%arg9 : memref<!tpu.dma_semaphore, #tpu.memory_space<semaphore_mem>>) src(%dma_wait3A_396 : memref<100000000xi32, #tpu.memory_space<hbm>>) dst(%dma_wait3A_391 : memref<128xi32, #tpu.memory_space<vmem>>)
      %scan3A_397 = arith.constant 0 : i32
      %scan3A_398 = arith.constant 0 : i32
      %scan3A_399 = arith.constant 125 : i32
      %scan3A_400 = arith.addi %scan3A_398, %scan3A_399 : i32
      %scan3A_401 = arith.constant 1 : i32
      scf.for %scan3A_403 = %scan3A_398 to %scan3A_400 step %scan3A_401  : i32 {
        %mul3A_404 = arith.constant 10 : i32
        %mul3A_405 = arith.muli %scan3A_403, %mul3A_404 : i32
        %add3A_406 = arith.constant 0 : i32
        %add3A_407 = arith.addi %mul3A_405, %add3A_406 : i32
        %mul3A_408 = arith.constant 2 : i32
        %mul3A_409 = arith.muli %mul3A_408, %add3A_407 : i32
        %add3A_410 = vector.broadcast %mul3A_409 : i32 to vector<16xi32>
        %add3A_411 = arith.addi %select_n3A, %add3A_410 : vector<16xi32>
        %gather3A_412 = tpu.vector_load_idx %arg7[%add3A_411] : memref<2560xi32, #tpu.memory_space<vmem>>[vector<16xi32>], vector<16xi32>,
        %mul3A_413 = arith.constant 16 : i32
        %mul3A_414 = arith.muli %mul3A_413, %add3A_407 : i32
        %swap3A = arith.index_cast %mul3A_414 : i32 to index
        %swap3A_415 = tpu.vector_load %arg8[%swap3A] {strides = array<i32>} : memref<20000xi32, #tpu.memory_space<vmem>>, vector<16xi32>,
        tpu.vector_store %arg8[%swap3A], %gather3A_412 {strides = array<i32>} : memref<20000xi32, #tpu.memory_space<vmem>>, vector<16xi32>,
        %mul3A_416 = arith.constant 10 : i32
        %mul3A_417 = arith.muli %scan3A_403, %mul3A_416 : i32
        %add3A_418 = arith.constant 1 : i32
        %add3A_419 = arith.addi %mul3A_417, %add3A_418 : i32
        %mul3A_420 = arith.constant 2 : i32
        %mul3A_421 = arith.muli %mul3A_420, %add3A_419 : i32
        %add3A_422 = vector.broadcast %mul3A_421 : i32 to vector<16xi32>
        %add3A_423 = arith.addi %select_n3A, %add3A_422 : vector<16xi32>
        %gather3A_424 = tpu.vector_load_idx %arg7[%add3A_423] : memref<2560xi32, #tpu.memory_space<vmem>>[vector<16xi32>], vector<16xi32>,
        %mul3A_425 = arith.constant 16 : i32
        %mul3A_426 = arith.muli %mul3A_425, %add3A_419 : i32
        %swap3A_427 = arith.index_cast %mul3A_426 : i32 to index
        %swap3A_428 = tpu.vector_load %arg8[%swap3A_427] {strides = array<i32>} : memref<20000xi32, #tpu.memory_space<vmem>>, vector<16xi32>,
        tpu.vector_store %arg8[%swap3A_427], %gather3A_424 {strides = array<i32>} : memref<20000xi32, #tpu.memory_space<vmem>>, vector<16xi32>,
        %mul3A_429 = arith.constant 10 : i32
        %mul3A_430 = arith.muli %scan3A_403, %mul3A_429 : i32
        %add3A_431 = arith.constant 2 : i32
        %add3A_432 = arith.addi %mul3A_430, %add3A_431 : i32
        %mul3A_433 = arith.constant 2 : i32
        %mul3A_434 = arith.muli %mul3A_433, %add3A_432 : i32
        %add3A_435 = vector.broadcast %mul3A_434 : i32 to vector<16xi32>
        %add3A_436 = arith.addi %select_n3A, %add3A_435 : vector<16xi32>
        %gather3A_437 = tpu.vector_load_idx %arg7[%add3A_436] : memref<2560xi32, #tpu.memory_space<vmem>>[vector<16xi32>], vector<16xi32>,
        %mul3A_438 = arith.constant 16 : i32
        %mul3A_439 = arith.muli %mul3A_438, %add3A_432 : i32
        %swap3A_440 = arith.index_cast %mul3A_439 : i32 to index
        %swap3A_441 = tpu.vector_load %arg8[%swap3A_440] {strides = array<i32>} : memref<20000xi32, #tpu.memory_space<vmem>>, vector<16xi32>,
        tpu.vector_store %arg8[%swap3A_440], %gather3A_437 {strides = array<i32>} : memref<20000xi32, #tpu.memory_space<vmem>>, vector<16xi32>,
        %mul3A_442 = arith.constant 10 : i32
        %mul3A_443 = arith.muli %scan3A_403, %mul3A_442 : i32
        %add3A_444 = arith.constant 3 : i32
        %add3A_445 = arith.addi %mul3A_443, %add3A_444 : i32
        %mul3A_446 = arith.constant 2 : i32
        %mul3A_447 = arith.muli %mul3A_446, %add3A_445 : i32
        %add3A_448 = vector.broadcast %mul3A_447 : i32 to vector<16xi32>
        %add3A_449 = arith.addi %select_n3A, %add3A_448 : vector<16xi32>
        %gather3A_450 = tpu.vector_load_idx %arg7[%add3A_449] : memref<2560xi32, #tpu.memory_space<vmem>>[vector<16xi32>], vector<16xi32>,
        %mul3A_451 = arith.constant 16 : i32
        %mul3A_452 = arith.muli %mul3A_451, %add3A_445 : i32
        %swap3A_453 = arith.index_cast %mul3A_452 : i32 to index
        %swap3A_454 = tpu.vector_load %arg8[%swap3A_453] {strides = array<i32>} : memref<20000xi32, #tpu.memory_space<vmem>>, vector<16xi32>,
        tpu.vector_store %arg8[%swap3A_453], %gather3A_450 {strides = array<i32>} : memref<20000xi32, #tpu.memory_space<vmem>>, vector<16xi32>,
        %mul3A_455 = arith.constant 10 : i32
        %mul3A_456 = arith.muli %scan3A_403, %mul3A_455 : i32
        %add3A_457 = arith.constant 4 : i32
        %add3A_458 = arith.addi %mul3A_456, %add3A_457 : i32
        %mul3A_459 = arith.constant 2 : i32
        %mul3A_460 = arith.muli %mul3A_459, %add3A_458 : i32
        %add3A_461 = vector.broadcast %mul3A_460 : i32 to vector<16xi32>
        %add3A_462 = arith.addi %select_n3A, %add3A_461 : vector<16xi32>
        %gather3A_463 = tpu.vector_load_idx %arg7[%add3A_462] : memref<2560xi32, #tpu.memory_space<vmem>>[vector<16xi32>], vector<16xi32>,
        %mul3A_464 = arith.constant 16 : i32
        %mul3A_465 = arith.muli %mul3A_464, %add3A_458 : i32
        %swap3A_466 = arith.index_cast %mul3A_465 : i32 to index
        %swap3A_467 = tpu.vector_load %arg8[%swap3A_466] {strides = array<i32>} : memref<20000xi32, #tpu.memory_space<vmem>>, vector<16xi32>,
        tpu.vector_store %arg8[%swap3A_466], %gather3A_463 {strides = array<i32>} : memref<20000xi32, #tpu.memory_space<vmem>>, vector<16xi32>,
        %mul3A_468 = arith.constant 10 : i32
        %mul3A_469 = arith.muli %scan3A_403, %mul3A_468 : i32
        %add3A_470 = arith.constant 5 : i32
        %add3A_471 = arith.addi %mul3A_469, %add3A_470 : i32
        %mul3A_472 = arith.constant 2 : i32
        %mul3A_473 = arith.muli %mul3A_472, %add3A_471 : i32
        %add3A_474 = vector.broadcast %mul3A_473 : i32 to vector<16xi32>
        %add3A_475 = arith.addi %select_n3A, %add3A_474 : vector<16xi32>
        %gather3A_476 = tpu.vector_load_idx %arg7[%add3A_475] : memref<2560xi32, #tpu.memory_space<vmem>>[vector<16xi32>], vector<16xi32>,
        %mul3A_477 = arith.constant 16 : i32
        %mul3A_478 = arith.muli %mul3A_477, %add3A_471 : i32
        %swap3A_479 = arith.index_cast %mul3A_478 : i32 to index
        %swap3A_480 = tpu.vector_load %arg8[%swap3A_479] {strides = array<i32>} : memref<20000xi32, #tpu.memory_space<vmem>>, vector<16xi32>,
        tpu.vector_store %arg8[%swap3A_479], %gather3A_476 {strides = array<i32>} : memref<20000xi32, #tpu.memory_space<vmem>>, vector<16xi32>,
        %mul3A_481 = arith.constant 10 : i32
        %mul3A_482 = arith.muli %scan3A_403, %mul3A_481 : i32
        %add3A_483 = arith.constant 6 : i32
        %add3A_484 = arith.addi %mul3A_482, %add3A_483 : i32
        %mul3A_485 = arith.constant 2 : i32
        %mul3A_486 = arith.muli %mul3A_485, %add3A_484 : i32
        %add3A_487 = vector.broadcast %mul3A_486 : i32 to vector<16xi32>
        %add3A_488 = arith.addi %select_n3A, %add3A_487 : vector<16xi32>
        %gather3A_489 = tpu.vector_load_idx %arg7[%add3A_488] : memref<2560xi32, #tpu.memory_space<vmem>>[vector<16xi32>], vector<16xi32>,
        %mul3A_490 = arith.constant 16 : i32
        %mul3A_491 = arith.muli %mul3A_490, %add3A_484 : i32
        %swap3A_492 = arith.index_cast %mul3A_491 : i32 to index
        %swap3A_493 = tpu.vector_load %arg8[%swap3A_492] {strides = array<i32>} : memref<20000xi32, #tpu.memory_space<vmem>>, vector<16xi32>,
        tpu.vector_store %arg8[%swap3A_492], %gather3A_489 {strides = array<i32>} : memref<20000xi32, #tpu.memory_space<vmem>>, vector<16xi32>,
        %mul3A_494 = arith.constant 10 : i32
        %mul3A_495 = arith.muli %scan3A_403, %mul3A_494 : i32
        %add3A_496 = arith.constant 7 : i32
        %add3A_497 = arith.addi %mul3A_495, %add3A_496 : i32
        %mul3A_498 = arith.constant 2 : i32
        %mul3A_499 = arith.muli %mul3A_498, %add3A_497 : i32
        %add3A_500 = vector.broadcast %mul3A_499 : i32 to vector<16xi32>
        %add3A_501 = arith.addi %select_n3A, %add3A_500 : vector<16xi32>
        %gather3A_502 = tpu.vector_load_idx %arg7[%add3A_501] : memref<2560xi32, #tpu.memory_space<vmem>>[vector<16xi32>], vector<16xi32>,
        %mul3A_503 = arith.constant 16 : i32
        %mul3A_504 = arith.muli %mul3A_503, %add3A_497 : i32
        %swap3A_505 = arith.index_cast %mul3A_504 : i32 to index
        %swap3A_506 = tpu.vector_load %arg8[%swap3A_505] {strides = array<i32>} : memref<20000xi32, #tpu.memory_space<vmem>>, vector<16xi32>,
        tpu.vector_store %arg8[%swap3A_505], %gather3A_502 {strides = array<i32>} : memref<20000xi32, #tpu.memory_space<vmem>>, vector<16xi32>,
        %mul3A_507 = arith.constant 10 : i32
        %mul3A_508 = arith.muli %scan3A_403, %mul3A_507 : i32
        %add3A_509 = arith.constant 8 : i32
        %add3A_510 = arith.addi %mul3A_508, %add3A_509 : i32
        %mul3A_511 = arith.constant 2 : i32
        %mul3A_512 = arith.muli %mul3A_511, %add3A_510 : i32
        %add3A_513 = vector.broadcast %mul3A_512 : i32 to vector<16xi32>
        %add3A_514 = arith.addi %select_n3A, %add3A_513 : vector<16xi32>
        %gather3A_515 = tpu.vector_load_idx %arg7[%add3A_514] : memref<2560xi32, #tpu.memory_space<vmem>>[vector<16xi32>], vector<16xi32>,
        %mul3A_516 = arith.constant 16 : i32
        %mul3A_517 = arith.muli %mul3A_516, %add3A_510 : i32
        %swap3A_518 = arith.index_cast %mul3A_517 : i32 to index
        %swap3A_519 = tpu.vector_load %arg8[%swap3A_518] {strides = array<i32>} : memref<20000xi32, #tpu.memory_space<vmem>>, vector<16xi32>,
        tpu.vector_store %arg8[%swap3A_518], %gather3A_515 {strides = array<i32>} : memref<20000xi32, #tpu.memory_space<vmem>>, vector<16xi32>,
        %mul3A_520 = arith.constant 10 : i32
        %mul3A_521 = arith.muli %scan3A_403, %mul3A_520 : i32
        %add3A_522 = arith.constant 9 : i32
        %add3A_523 = arith.addi %mul3A_521, %add3A_522 : i32
        %mul3A_524 = arith.constant 2 : i32
        %mul3A_525 = arith.muli %mul3A_524, %add3A_523 : i32
        %add3A_526 = vector.broadcast %mul3A_525 : i32 to vector<16xi32>
        %add3A_527 = arith.addi %select_n3A, %add3A_526 : vector<16xi32>
        %gather3A_528 = tpu.vector_load_idx %arg7[%add3A_527] : memref<2560xi32, #tpu.memory_space<vmem>>[vector<16xi32>], vector<16xi32>,
        %mul3A_529 = arith.constant 16 : i32
        %mul3A_530 = arith.muli %mul3A_529, %add3A_523 : i32
        %swap3A_531 = arith.index_cast %mul3A_530 : i32 to index
        %swap3A_532 = tpu.vector_load %arg8[%swap3A_531] {strides = array<i32>} : memref<20000xi32, #tpu.memory_space<vmem>>, vector<16xi32>,
        tpu.vector_store %arg8[%swap3A_531], %gather3A_528 {strides = array<i32>} : memref<20000xi32, #tpu.memory_space<vmem>>, vector<16xi32>,
      }
      %scan3A_402 = arith.constant 125 : i32
      "tpu.region"() ({
        %run_scoped3A = tpu.sem_alloc : memref<!tpu.dma_semaphore, #tpu.memory_space<semaphore_mem>>
        %dma_start3A_403 = arith.constant 0 : i32
        %dma_start3A_404 = tpu.memref_slice %arg4[%add3A_52, %dma_start3A_403] : memref<1024x20000xi32, #tpu.memory_space<hbm>> -> memref<1x20000xi32, #tpu.memory_space<hbm>>
        %dma_start3A_405 = tpu.memref_squeeze %dma_start3A_404 : memref<1x20000xi32, #tpu.memory_space<hbm>> -> memref<20000xi32, #tpu.memory_space<hbm>>
        %dma_start3A_406 = arith.constant 0 : i32
        %dma_start3A_407 = tpu.memref_slice %arg4[%add3A_52, %dma_start3A_406] : memref<1024x20000xi32, #tpu.memory_space<hbm>> -> memref<1x20000xi32, #tpu.memory_space<hbm>>
        %dma_start3A_408 = tpu.memref_squeeze %dma_start3A_407 : memref<1x20000xi32, #tpu.memory_space<hbm>> -> memref<20000xi32, #tpu.memory_space<hbm>>
        tpu.enqueue_dma source(%arg8 : memref<20000xi32, #tpu.memory_space<vmem>>) target(%dma_start3A_408 : memref<20000xi32, #tpu.memory_space<hbm>>) target_semaphore(%run_scoped3A : memref<!tpu.dma_semaphore, #tpu.memory_space<semaphore_mem>>)
        %dma_wait3A_409 = arith.constant 0 : i32
        %dma_wait3A_410 = tpu.memref_slice %arg4[%add3A_52, %dma_wait3A_409] : memref<1024x20000xi32, #tpu.memory_space<hbm>> -> memref<1x20000xi32, #tpu.memory_space<hbm>>
        %dma_wait3A_411 = tpu.memref_squeeze %dma_wait3A_410 : memref<1x20000xi32, #tpu.memory_space<hbm>> -> memref<20000xi32, #tpu.memory_space<hbm>>
        %dma_wait3A_412 = arith.constant 0 : i32
        %dma_wait3A_413 = tpu.memref_slice %arg4[%add3A_52, %dma_wait3A_412] : memref<1024x20000xi32, #tpu.memory_space<hbm>> -> memref<1x20000xi32, #tpu.memory_space<hbm>>
        %dma_wait3A_414 = tpu.memref_squeeze %dma_wait3A_413 : memref<1x20000xi32, #tpu.memory_space<hbm>> -> memref<20000xi32, #tpu.memory_space<hbm>>
        tpu.wait_dma2 semaphore(%run_scoped3A : memref<!tpu.dma_semaphore, #tpu.memory_space<semaphore_mem>>) src(%arg8 : memref<20000xi32, #tpu.memory_space<vmem>>) dst(%dma_wait3A_414 : memref<20000xi32, #tpu.memory_space<hbm>>)
        tpu.yield
      }) : () -> ()
    }
    %scan3A_48 = arith.constant 32 : i32
    return
  }
}

</mosaic_0001>

<sc_bundles>
// kernel: kernel.3.cloned.1.call-start
scs
__scs_entry_jumppad:
0x0: {  	(pc) =	sbr.rel $0x88, $3  }
0x1: {  	(tag) =	ssettag $0x0;
	lr =	simm.s32 $0x1  }
0x2: {  	[smem:$0x3F9F] =	sst lr;
	_ =	strace $0xD0000000  }
0x3: {  	_ = 	snop  }
0x4: {  	_ = 	snop  }
0x5: {  	_ = 	snop  }
0x6: {  	_ = 	snop  }
0x7: {  	_ = 	snop  }
__scs_overlays_trampoline_lowered:
0x8: {  	[smem:$0x3FAE] =	sst s0  }
0x9: {  	[smem:$0x3FAF] =	sst s1  }
0xa: {  	[smem:$0x3FB0] =	sst s2  }
0xb: {  	[smem:$0x3FB1] =	sst s3  }
0xc: {  	[smem:$0x3FB2] =	sst s4  }
0xd: {  	[smem:$0x3FB3] =	sst s5  }
0xe: {  	[smem:$0x3FB4] =	sst s6  }
0xf: {  	[smem:$0x3FB5] =	sst s7  }
0x10: {  	[smem:$0x3FB6] =	sst s8  }
0x11: {  	[smem:$0x3FB7] =	sst s9;
	s0 =	simm.s32 @!p0 $0x0  }
0x12: {  	s1 =	sld [smem:$0x3F9D];
	s0 =	simm.s32 @p0 $0x1  }
0x13: {  	[smem:$0x3FB8] =	sst s0;
	s0 =	simm.s32 @!p1 $0x0  }
0x14: {  	s2 =	sld [smem:$0x3F9C];
	s0 =	simm.s32 @p1 $0x1  }
0x15: {  	[smem:$0x3FB9] =	sst s0;
	s0 =	simm.s32 @!p2 $0x0  }
0x16: {  	s3 =	sld [smem:$0x3FDB];
	s0 =	simm.s32 @p2 $0x1  }
0x17: {  	s4 =	simm.s32 $0x1BF5;
	[smem:$0x3FBB] =	sst s0  }
0x18: {  	s0 =	sld [smem:$0x3F9E];
	_ =	swait.ge [sflag:s4], $0x0  }
0x19: {  	s7 =	sld [smem:$0x3F9F]  }
0x1a: {  	s8 =	sadd.s32 $0xFFFFE003, lr  }
0x1b: {  	s9 =	sadd.s32 $0xFFFFFEF7, lr;
	s5 =	simm.s32 $0xFFFFFFFF;
	p2 =	slt.u32 s8, $0xFFFFF086  }
0x1c: {  	p1 =	slt.u32 s9, $0xF7A;
	s5 =	simm.s32 @!p2 $0x0  }
0x1d: {  	s5 =	simm.s32 @p1 $0x1;
	p0 =	seq.s32 s7, s2  }
0x1e: {  	s7 =	smul.u32 @!p0 $0xF7A, s2;
	p2 =	seq.s32 @!p0 s5, $0x0  }
0x1f: {  	s9 =	smul.u32 $0xF7A, s1;
	s8 =	simm.s32 @!p0 $0x1BF5;
	p2 =	por !p2, p0  }
0x20: {  	[sflag:s8] =	ssyncset.s32 @!p0 $0xFFFFF086;
	s6 =	sadd.s32 @!p0 s3, s7;
	s7 =	simm.s32 @!p0 $0x108  }
0x21: {  	s3 =	sadd.s32 s3, s9;
	s6 =	sadd.s32 @!p0 $0x88, s6;
	s7 =	simm.s32 @p2 $0x1082  }
0x22: {  	[simem:s7], [sflag:s8] =	dma.local @!p0 [hbm:s6], $0xF7A  }
0x23: {  	s9 =	sor.u32 $0xD0000000, s2;
	s6 =	simm.s32 $0x108;
	_ =	swait.ge @!p0 [sflag:s8], $0x0  }
0x24: {  	s3 =	sadd.s32 $0x88, s3;
	s6 =	simm.s32 @!p1 $0x1082;
	[sflag:s4] =	ssyncset.s32 $0xFFFFF086  }
0x25: {  	[simem:s6], [sflag:s4] =	dma.local [hbm:s3], $0xF7A  }
0x26: {  	[smem:$0x3F9F] =	sst s1;
	(tag) =	ssettag s2;
	_ =	strace s9  }
0x27: {  	s1 =	sld [smem:$0x3FAF]  }
0x28: {  	s2 =	sld [smem:$0x3FB0]  }
0x29: {  	s4 =	sld [smem:$0x3FB2]  }
0x2a: {  	p0 =	seq.s32 s5, $0x0;
	s5 =	sld [smem:$0x3FB3]  }
0x2b: {  	s6 =	sld [smem:$0x3FB4]  }
0x2c: {  	s7 =	sld [smem:$0x3FB5]  }
0x2d: {  	s3 =	simm.s32 $0x108;
	s8 =	sld [smem:$0x3FB6]  }
0x2e: {  	s3 =	simm.s32 @!p0 $0x1082;
	s9 =	sld [smem:$0x3FB7]  }
0x2f: {  	lr =	sadd.s32 s0, s3;
	s0 =	sld [smem:$0x3FAE]  }
0x30: {  	s3 =	sld [smem:$0x3FB1]  }
0x31: {  	[smem:$0x3FBA] =	sst s10  }
0x32: {  	s10 =	sld [smem:$0x3FB8];
	_ =	sdelay $0x3  }
0x33: {  	p0 =	seq.s32 s10, $0x1;
	s10 =	sld [smem:$0x3FBA];
	_ =	sdelay $0x3  }
0x34: {  	[smem:$0x3FBA] =	sst s10  }
0x35: {  	s10 =	sld [smem:$0x3FB9];
	_ =	sdelay $0x3  }
0x36: {  	p1 =	seq.s32 s10, $0x1;
	s10 =	sld [smem:$0x3FBA];
	_ =	sdelay $0x3  }
0x37: {  	[smem:$0x3FBA] =	sst s10  }
0x38: {  	s10 =	sld [smem:$0x3FBB]  }
0x39: {  	_ = 	snop;
	(pc) =	sbr.ind lr, $3  }
0x3a: {  	_ = 	snop  }
0x3b: {  	_ = 	snop  }
0x3c: {  	p2 =	seq.s32 s10, $0x1;
	s10 =	sld [smem:$0x3FBA]  }
0x3d: {  	_ =	shalt  }
0x3e: {  	_ =	shalt  }
0x3f: {  	_ =	shalt  }
0x40: {  	_ =	shalt  }
0x41: {  	_ =	shalt  }
0x42: {  	_ =	shalt  }
0x43: {  	_ =	shalt  }
0x44: {  	_ =	shalt  }
0x45: {  	_ =	shalt  }
0x46: {  	_ =	shalt  }
0x47: {  	_ =	shalt  }
0x48: {  	_ =	shalt  }
0x49: {  	_ =	shalt  }
0x4a: {  	_ =	shalt  }
0x4b: {  	_ =	shalt  }
0x4c: {  	_ =	shalt  }
0x4d: {  	_ =	shalt  }
0x4e: {  	_ =	shalt  }
0x4f: {  	_ =	shalt  }
0x50: {  	_ =	shalt  }
0x51: {  	_ =	shalt  }
0x52: {  	_ =	shalt  }
0x53: {  	_ =	shalt  }
0x54: {  	_ =	shalt  }
0x55: {  	_ =	shalt  }
0x56: {  	_ =	shalt  }
0x57: {  	_ =	shalt  }
0x58: {  	_ =	shalt  }
0x59: {  	_ =	shalt  }
0x5a: {  	_ =	shalt  }
0x5b: {  	_ =	shalt  }
0x5c: {  	_ =	shalt  }
0x5d: {  	_ =	shalt  }
0x5e: {  	_ =	shalt  }
0x5f: {  	_ =	shalt  }
0x60: {  	_ =	shalt  }
0x61: {  	_ =	shalt  }
0x62: {  	_ =	shalt  }
0x63: {  	_ =	shalt  }
0x64: {  	_ =	shalt  }
0x65: {  	_ =	shalt  }
0x66: {  	_ =	shalt  }
0x67: {  	_ =	shalt  }
0x68: {  	_ =	shalt  }
0x69: {  	_ =	shalt  }
0x6a: {  	_ =	shalt  }
0x6b: {  	_ =	shalt  }
0x6c: {  	_ =	shalt  }
0x6d: {  	_ =	shalt  }
0x6e: {  	_ =	shalt  }
0x6f: {  	_ =	shalt  }
0x70: {  	_ =	shalt  }
0x71: {  	_ =	shalt  }
0x72: {  	_ =	shalt  }
0x73: {  	_ =	shalt  }
0x74: {  	_ =	shalt  }
0x75: {  	_ =	shalt  }
0x76: {  	_ =	shalt  }
0x77: {  	_ =	shalt  }
0x78: {  	_ =	shalt  }
0x79: {  	_ =	shalt  }
0x7a: {  	_ =	shalt  }
0x7b: {  	_ =	shalt  }
0x7c: {  	_ =	shalt  }
0x7d: {  	_ =	shalt  }
0x7e: {  	_ =	shalt  }
0x7f: {  	_ =	shalt  }
0x80: {  	_ =	shalt  }
0x81: {  	_ =	shalt  }
0x82: {  	_ =	shalt  }
0x83: {  	_ =	shalt  }
0x84: {  	_ =	shalt  }
0x85: {  	_ =	shalt  }
0x86: {  	_ =	shalt  }
0x87: {  	_ =	shalt  }
.Lfunc_end0:
.L_simem_size_0:
called_computation_lowered:
.L_overlay_start_0:
0x88: {  	s2 =	sld [smem:$0x3FD9]  }
0x89: {  	s3 =	sld [smem:$0x3FFE];
	_ =	sdelay $0x1  }
0x8a: {  	s1 =	srdreg.scid  }
0x8b: {  	s0 =	sand.u32 $0x1, s1  }
0x8c: {  	s17 =	sshll.u32 s0, $0xA;
	s2 =	sadd.s32 s3, s2  }
0x8d: {  	s2 =	sadd.s32 s2, s17  }
0x8e: {  	[smem:$0x3FC6] =	sst s2  }
0x8f: {  	_ = 	snop  }
0x90: {  	s2 =	sld [smem:$0x3FD0];
	(tm) =	ssettm $0x1  }
0x91: {  	s18 =	sld [smem:$0x3FFB];
	_ =	sdelay $0x3  }
0x92: {  	_ =	strace s18  }
0x93: {  	s3 =	sld [smem:$0x3FFC];
	_ =	sdelay $0x3  }
0x94: {  	_ =	strace s3  }
0x95: {  	s3 =	sld [smem:$0x3FFD];
	_ =	sdelay $0x3  }
0x96: {  	_ =	strace s3  }
0x97: {  	_ =	strace $0x8FFFFFFF  }
0x98: {  	s19 =	sld [smem:$0x3FDB];
	_ =	sdelay $0x1  }
0x99: {  	s4 =	simm.s32 $_scs_section_size  }
0x9a: {  	s5 =	simm.s32 $_size__tile_overlayer_lowered;
	s6 =	simm.s32 $_tile_overlayer_lowered  }
0x9b: {  	s22 =	simm.s32 $0x1BFF;
	s21 =	sshll.u32 s6, $0x1;
	s3 =	sadd.s32 s4, s19  }
0x9c: {  	s7 =	simm.s32 $0x0;
	s20 =	sshll.u32 s5, $0x1;
	s5 =	sadd.s32 s21, s3  }
0x9d: {  	[timem:s7], [sflag:s22] =	dma.local [hbm:s5], s20  }
0x9e: {  	_ =	swait.ge [sflag:s22], s20  }
0x9f: {  	s4 =	ssub.s32 $0x0, s20;
	[sflag:s22] =	ssyncset.done $0x0  }
0xa0: {  	[sflag:s22] =	ssyncadd.s32 s4;
	_ =	sdelay $0x1  }
0xa1: {  	s23 =	simm.s32 $0x1B8B  }
0xa2: {  	_ =	swait.ge [sflag:s23], $0x1  }
0xa3: {  	[sflag:s23] =	ssyncset.done $0x0  }
0xa4: {  	s25 =	simm.s32 $0x1B8E;
	s24 =	sld [smem:$0x3FFE];
	[sflag:s23] =	ssyncadd.s32 $0xFFFFFFFF  }
0xa5: {  	s26 =	simm.s32 $execute0_lowered;
	[smem:$0x3FD2] =	sst s25  }
0xa6: {  	s5 =	sshll.u32 s26, $0x1;
	_ =	strace $0x80000046;
	[dreg:$0x1] =	wrdreg $0xFFFFFFFF  }
0xa7: {  	s28 =	simm.s32 $_size_execute0_lowered;
	s3 =	sadd.s32 s3, s5;
	[dreg:$0x0] =	wrdreg $0x0  }
0xa8: {  	s5 =	sshll.u32 s28, $0x1;
	[dreg:$0x2] =	wrdreg s3  }
0xa9: {  	[dreg:$0x3] =	wrdreg s5  }
0xaa: {  	[dreg:$0x4] =	wrdreg $0xC0  }
0xab: {  	_ =	task [dreg:s7], $0x5FFFF  }
0xac: {  	[dreg:$0x1] =	wrdreg $0xFFFFFFFF  }
0xad: {  	[dreg:$0x0] =	wrdreg $0x60  }
0xae: {  	[dreg:$0x2] =	wrdreg s2  }
0xaf: {  	[dreg:$0x3] =	wrdreg s24  }
0xb0: {  	[dreg:$0x4] =	wrdreg $0x9  }
0xb1: {  	_ =	task.clear_ibuf [dreg:s7], $0x5FFFF;
	_ =	strace $0x90000046  }
0xb2: {  	s29 =	simm.s32 $0x9;
	_ =	strace $0x80000048  }
0xb3: {  	_ =	swait.ge [sflag:s29], $0x1  }
0xb4: {  	[sflag:s29] =	ssyncadd.s32 $0xFFFFFFFF  }
0xb5: {  	_ =	strace $0x90000048  }
0xb6: {  	_ =	sfence  }
0xb7: {  	s30 =	sld [smem:$0x0];
	_ =	sdelay $0x2  }
0xb8: {  	s31 =	sshll.u32 s1, $0xD;
	s1 =	sshrl.u32 s1, $0x2  }
0xb9: {  	s3 =	sand.u32 $0x4000, s31;
	s1 =	sadd.s32 s1, s30  }
0xba: {  	s0 =	sor.u32 s3, s0;
	s1 =	sshll.u32 s1, $0x11  }
0xbb: {  	s0 =	sor.u32 s1, s0  }
0xbc: {  	s0 =	sadd.s32 $0x8F2B, s0  }
0xbd: {  	[sflag:s0] =	ssyncadd.remote.s32 $0x1  }
0xbe: {  	_ =	sfence.sel $0xFFFF  }
0xbf: {  	[dreg:$0x0] =	wrdreg $0xFFFFFFFF;
	(pc) =	sbr.abs _section_cstart, $3  }
0xc0: {  	[dreg:$0x1] =	wrdreg $0xFFFFFFFF  }
0xc1: {  	_ =	task.clear_ibuf [dreg:s7], $0x2FFFF;
	_ =	strace $0x9FFFFFFF  }
0xc2: {  	(tm) =	ssettm $0x7FFFFFFF  }
0xc3: {  	_ =	shalt  }
tec
execute0_lowered:
.L_overlay_start_1:
0x0: {  	(tag) =	ssettag $0x1  }
0x1: {  	s0 =	rddreg [dreg:$0x0]  }
0x2: {  	s1 =	srdreg.scid;
	s2 =	stileid.u32  }
0x3: {  	s4 =	rddreg [dreg:$0x1];
	s8 =	simm.s32 $0x680;
	s9 =	simm.s32 $0x2  }
0x4: {  	s10 =	simm.s32 $0x80;
	s11 =	simm.s32 $0x1280;
	s14 =	simm.s32 $0x1900  }
0x5: {  	s15 =	simm.s32 $0xD80;
	s16 =	simm.s32 $0x1980;
	s17 =	simm.s32 $0xE00  }
0x6: {  	s18 =	simm.s32 $0x1A00;
	s19 =	simm.s32 $0xE80;
	s20 =	simm.s32 $0x1A80  }
0x7: {  	s21 =	simm.s32 $0xF00;
	s22 =	simm.s32 $0x1B00;
	s23 =	simm.s32 $0xF80  }
0x8: {  	s24 =	simm.s32 $0x1B80;
	s25 =	simm.s32 $0x1000;
	s26 =	simm.s32 $0x1C00  }
0x9: {  	s28 =	simm.s32 $0x1;
	s1 =	sand.u32 $0x1, s1;
	s3 =	sshll.u32 s2, $0x1  }
0xa: {  	s29 =	simm.s32 $0x400;
	s30 =	simm.s32 $0x1C80;
	s5 =	sor.u32 s1, s3  }
0xb: {  	s2 =	simm.s32 $0x0;
	s1 =	ssub.s32 $0x2, s1;
	s6 =	smul.u32 $0xC8, s5  }
0xc: {  	[smem:$0x7FF] =	sst s2;
	s3 =	sadd.s32 $0x400, s4;
	s7 =	sshrl.u32 s1, $0x1  }
0xd: {  	v0 =	vlaneseq.u32;
	s4 =	sadd.s32 $0xBEC200, s4;
	s1 =	ssub.s32 s1, s7;
	s0 =	sadd.s32 s0, s6  }
0xe: {  	v2 =	vimm.s32 $0x0;
	v1 =	vor.u32 $0x9C0, v0;
	v3 =	vor.u32 $0x9D0, v0;
	_ =	strace $0x80000047;
	s31 =	smax.u32 s1, $0x1;
	[dreg:$0x3] =	wrdreg s0  }
0xf: {  	v4 =	vor.u32 $0x9E0, v0;
	v5 =	vor.u32 $0x9F0, v0;
	v6 =	vshrl.u32 v0, $0x3;
	s6 =	sshll.u32 s5, $0x5;
	s1 =	simm.s32 $0x0;
	[dreg:$0x4] =	wrdreg s31  }
.LBB2_1:
0x10: {  	_ =	sdelay $0x3  }
0x11: {  	[tilespmem:v1+s8+$0x0] =	vst.idx.msk $0xffff, v2  }
0x12: {  	[tilespmem:v3+s8+$0x0] =	vst.idx.msk $0xffff, v2  }
0x13: {  	[dreg:$0x5] =	wrdreg s1;
	[tilespmem:v4+s8+$0x0] =	vst.idx.msk $0xffff, v2  }
0x14: {  	s0 =	rddreg [dreg:$0x3];
	[tilespmem:v5+s8+$0x0] =	vst.idx.msk $0xffff, v2  }
0x15: {  	[tilespmem:s2], [sflag:$0x2] =	stream.linear.gather [hbm4b:s0+s2], $0x640, $0x38;
	[tilespmem:$0x6B00] =	vst v63  }
0x16: {  	_ =	swait.ge [sflag:s9], $0x640  }
0x17: {  	[sflag:s9] =	ssyncset.done $0x0  }
0x18: {  	s31 =	simm.s32 $0x0;
	s1 =	simm.s32 $0x0;
	[sflag:s9] =	ssyncadd.s32 $0xFFFFF9C0  }
.LBB2_2:
0x19: {  	s0 =	smul.u32 $0x32, s1;
	v7 =	vmov s31;
	_ =	sdelay $0x1  }
0x1a: {  	v8 =	vadd.s32 s0, v0;
	s5 =	sadd.s32 $0x10, s0  }
0x1b: {  	v9 =	vadd.s32 s5, v0;
	_ =	sdelay $0x1  }
0x1c: {  	s13 =	sadd.s32 $0x20, s0;
	v12 =	vld.idx.msk [tilespmem:v7+s2+$0x0], $0xffff  }
0x1d: {  	s0 =	sadd.s32 $0x30, s0;
	v10 =	vadd.s32 s13, v0  }
0x1e: {  	s7 =	simm.s32 $0x0;
	v11 =	vadd.s32 s0, v0;
	v7 =	vld.idx.msk [tilespmem:v8+s2+$0x0], $0xffff  }
0x1f: {  	s12 =	simm.s32 $0x10;
	v13 =	vadd.s32 s7, v0;
	v8 =	vld.idx.msk [tilespmem:v9+s2+$0x0], $0xffff  }
0x20: {  	v14 =	vadd.s32 s12, v0  }
0x21: {  	v15 =	vmul.u32 $0x2710, v12  }
0x22: {  	v9 =	vld.idx.msk [tilespmem:v10+s2+$0x0], $0xffff  }
0x23: {  	s13 =	simm.s32 $0x20;
	v10 =	vld.idx.msk [tilespmem:v11+s2+$0x0], $0xffff;
	v11 =	vadd.s32 v7, v15  }
0x24: {  	s12 =	simm.s32 $0x30;
	v16 =	vadd.s32 s13, v0;
	[tilespmem:v13+s8+$0x0] =	vst.idx.msk $0xffff, v11;
	v11 =	vadd.s32 v8, v15  }
0x25: {  	s5 =	sadd.s32 $0x1, s31;
	[tilespmem:v14+s8+$0x0] =	vst.idx.msk $0xffff, v11;
	v11 =	vadd.s32 s12, v0  }
0x26: {  	v12 =	vmov s5;
	_ =	sdelay $0x1  }
0x27: {  	v13 =	vadd.s32 v9, v15  }
0x28: {  	s7 =	simm.s32 $0x94;
	s0 =	simm.s32 $0x62;
	[tilespmem:v16+s8+$0x0] =	vst.idx.msk $0xffff, v13;
	v13 =	vadd.s32 v10, v15  }
.LBB2_3:
0x29: {  	p0 =	sne.s32 s7, $0x9C2;
	[tilespmem:v11+s8+$0x0] =	vst.idx.msk $0x3, v13;
	s12 =	smov.u32 s7;
	s7 =	sadd.s32 $0x32, s7  }
0x2a: {  	v11 =	vld.idx.msk [tilespmem:v12+s2+$0x0], $0xffff;
	_ =	sdelay $0x2  }
0x2b: {  	s13 =	sadd.s32 $0xFFFFFFD0, s0  }
0x2c: {  	v13 =	vadd.s32 s13, v0;
	s13 =	sadd.s32 $0xFFFFFFE0, s0  }
0x2d: {  	v14 =	vadd.s32 s13, v0;
	s13 =	sadd.s32 $0xFFFFFFF0, s0  }
0x2e: {  	v16 =	vadd.s32 s13, v0;
	v15 =	vmul.u32 $0x2710, v11  }
.Ltmp0:
0x2f: {  	s5 =	sadd.s32 $0x1, s5;
	v11 =	vadd.s32 s0, v0;
	s0 =	smov.u32 s12;
	(pc) =	sbr.rel @p0 .LBB2_3-.Ltmp0, $4  }
0x30: {  	v12 =	vmov s5;
	v17 =	vadd.s32 v7, v15  }
0x31: {  	[tilespmem:v13+s8+$0x0] =	vst.idx.msk $0xffff, v17;
	v13 =	vadd.s32 v8, v15  }
0x32: {  	[tilespmem:v14+s8+$0x0] =	vst.idx.msk $0xffff, v13;
	v13 =	vadd.s32 v9, v15  }
0x33: {  	[tilespmem:v16+s8+$0x0] =	vst.idx.msk $0xffff, v13;
	v13 =	vadd.s32 v10, v15  }
0x34: {  	_ =	sdelay $0x3  }
0x35: {  	[tilespmem:v11+s8+$0x0] =	vst.idx.msk $0x3, v13  }
0x36: {  	v11 =	vld.idx.msk [tilespmem:v12+s2+$0x0], $0xffff;
	_ =	sdelay $0x1  }
0x37: {  	s5 =	sadd.s32 $0xFFFFFFD0, s0  }
0x38: {  	s13 =	sadd.s32 $0xFFFFFFE0, s0;
	v62 =	vadd.s32 s5, v0  }
0x39: {  	s7 =	sadd.s32 $0xFFFFFFF0, s0;
	v63 =	vadd.s32 s13, v0  }
0x3a: {  	v14 =	vadd.s32 s7, v0;
	v11 =	vmul.u32 $0x2710, v11  }
0x3b: {  	v15 =	vadd.s32 s0, v0  }
0x3c: {  	v7 =	vadd.s32 v7, v11  }
0x3d: {  	[tilespmem:v62+s8+$0x0] =	vst.idx.msk $0xffff, v7;
	v7 =	vadd.s32 v8, v11  }
0x3e: {  	[tilespmem:v63+s8+$0x0] =	vst.idx.msk $0xffff, v7;
	v7 =	vadd.s32 v9, v11  }
0x3f: {  	[tilespmem:v14+s8+$0x0] =	vst.idx.msk $0xffff, v7;
	v7 =	vadd.s32 v10, v11  }
0x40: {  	[tilespmem:v15+s8+$0x0] =	vst.idx.msk $0x3, v7  }
0x41: {  	[tilespmem:s11], [sflag:$0x1] =	stream.indirect.gather [hbm4b:s3+s10], $0x1, s8, s10, $0xb8;
	[tilespmem:$0x6B00] =	vst v63  }
0x42: {  	s12 =	simm.s32 $0x700;
	s13 =	simm.s32 $0x1300  }
0x43: {  	[tilespmem:s13], [sflag:$0x1] =	stream.indirect.gather [hbm4b:s3+s10], $0x1, s12, s10, $0xb8;
	[tilespmem:$0x6B00] =	vst v63  }
0x44: {  	s5 =	simm.s32 $0x780;
	s7 =	simm.s32 $0x1380  }
0x45: {  	[tilespmem:s7], [sflag:$0x1] =	stream.indirect.gather [hbm4b:s3+s10], $0x1, s5, s10, $0xb8;
	[tilespmem:$0x6B00] =	vst v63  }
0x46: {  	s12 =	simm.s32 $0x800;
	s13 =	simm.s32 $0x1400  }
0x47: {  	[tilespmem:s13], [sflag:$0x1] =	stream.indirect.gather [hbm4b:s3+s10], $0x1, s12, s10, $0xb8;
	[tilespmem:$0x6B00] =	vst v63  }
0x48: {  	s5 =	simm.s32 $0x880;
	s7 =	simm.s32 $0x1480  }
0x49: {  	[tilespmem:s7], [sflag:$0x1] =	stream.indirect.gather [hbm4b:s3+s10], $0x1, s5, s10, $0xb8;
	[tilespmem:$0x6B00] =	vst v63  }
0x4a: {  	s12 =	simm.s32 $0x900;
	s13 =	simm.s32 $0x1500  }
0x4b: {  	[tilespmem:s13], [sflag:$0x1] =	stream.indirect.gather [hbm4b:s3+s10], $0x1, s12, s10, $0xb8;
	[tilespmem:$0x6B00] =	vst v63  }
0x4c: {  	s5 =	simm.s32 $0x980;
	s7 =	simm.s32 $0x1580  }
0x4d: {  	[tilespmem:s7], [sflag:$0x1] =	stream.indirect.gather [hbm4b:s3+s10], $0x1, s5, s10, $0xb8;
	[tilespmem:$0x6B00] =	vst v63  }
0x4e: {  	s12 =	simm.s32 $0xA00;
	s13 =	simm.s32 $0x1600  }
0x4f: {  	[tilespmem:s13], [sflag:$0x1] =	stream.indirect.gather [hbm4b:s3+s10], $0x1, s12, s10, $0xb8;
	[tilespmem:$0x6B00] =	vst v63  }
0x50: {  	s5 =	simm.s32 $0xA80;
	s7 =	simm.s32 $0x1680  }
0x51: {  	[tilespmem:s7], [sflag:$0x1] =	stream.indirect.gather [hbm4b:s3+s10], $0x1, s5, s10, $0xb8;
	[tilespmem:$0x6B00] =	vst v63  }
0x52: {  	s12 =	simm.s32 $0xB00;
	s13 =	simm.s32 $0x1700  }
0x53: {  	[tilespmem:s13], [sflag:$0x1] =	stream.indirect.gather [hbm4b:s3+s10], $0x1, s12, s10, $0xb8;
	[tilespmem:$0x6B00] =	vst v63  }
0x54: {  	s5 =	simm.s32 $0xB80;
	s7 =	simm.s32 $0x1780  }
0x55: {  	[tilespmem:s7], [sflag:$0x1] =	stream.indirect.gather [hbm4b:s3+s10], $0x1, s5, s10, $0xb8;
	[tilespmem:$0x6B00] =	vst v63  }
0x56: {  	s12 =	simm.s32 $0xC00;
	s13 =	simm.s32 $0x1800  }
0x57: {  	[tilespmem:s13], [sflag:$0x1] =	stream.indirect.gather [hbm4b:s3+s10], $0x1, s12, s10, $0xb8;
	[tilespmem:$0x6B00] =	vst v63  }
0x58: {  	s7 =	simm.s32 $0xC80;
	s12 =	simm.s32 $0x1880  }
0x59: {  	[tilespmem:s12], [sflag:$0x1] =	stream.indirect.gather [hbm4b:s3+s10], $0x1, s7, s10, $0xb8;
	[tilespmem:$0x6B00] =	vst v63  }
0x5a: {  	s13 =	simm.s32 $0xD00  }
0x5b: {  	[tilespmem:s14], [sflag:$0x1] =	stream.indirect.gather [hbm4b:s3+s10], $0x1, s13, s10, $0xb8;
	[tilespmem:$0x6B00] =	vst v63  }
0x5c: {  	_ = 	snop  }
0x5d: {  	[tilespmem:s16], [sflag:$0x1] =	stream.indirect.gather [hbm4b:s3+s10], $0x1, s15, s10, $0xb8;
	[tilespmem:$0x6B00] =	vst v63  }
0x5e: {  	_ = 	snop  }
0x5f: {  	[tilespmem:s18], [sflag:$0x1] =	stream.indirect.gather [hbm4b:s3+s10], $0x1, s17, s10, $0xb8;
	[tilespmem:$0x6B00] =	vst v63  }
0x60: {  	_ = 	snop  }
0x61: {  	[tilespmem:s20], [sflag:$0x1] =	stream.indirect.gather [hbm4b:s3+s10], $0x1, s19, s10, $0xb8;
	[tilespmem:$0x6B00] =	vst v63  }
0x62: {  	_ = 	snop  }
0x63: {  	[tilespmem:s22], [sflag:$0x1] =	stream.indirect.gather [hbm4b:s3+s10], $0x1, s21, s10, $0xb8;
	[tilespmem:$0x6B00] =	vst v63  }
0x64: {  	_ = 	snop  }
0x65: {  	[tilespmem:s24], [sflag:$0x1] =	stream.indirect.gather [hbm4b:s3+s10], $0x1, s23, s10, $0xb8;
	[tilespmem:$0x6B00] =	vst v63  }
0x66: {  	_ = 	snop  }
0x67: {  	[tilespmem:s26], [sflag:$0x1] =	stream.indirect.gather [hbm4b:s3+s10], $0x1, s25, s10, $0xb8;
	[tilespmem:$0x6B00] =	vst v63  }
0x68: {  	_ =	swait.ge [sflag:s28], $0x80  }
0x69: {  	[sflag:s28] =	ssyncset.done $0x0  }
0x6a: {  	[sflag:s28] =	ssyncadd.s32 $0xFFFFFF80  }
0x6b: {  	_ =	swait.ge [sflag:s28], $0x80  }
0x6c: {  	[sflag:s28] =	ssyncset.done $0x0  }
0x6d: {  	[sflag:s28] =	ssyncadd.s32 $0xFFFFFF80  }
0x6e: {  	_ =	swait.ge [sflag:s28], $0x80  }
0x6f: {  	[sflag:s28] =	ssyncset.done $0x0  }
0x70: {  	[sflag:s28] =	ssyncadd.s32 $0xFFFFFF80  }
0x71: {  	_ =	swait.ge [sflag:s28], $0x80  }
0x72: {  	[sflag:s28] =	ssyncset.done $0x0  }
0x73: {  	[sflag:s28] =	ssyncadd.s32 $0xFFFFFF80  }
0x74: {  	_ =	swait.ge [sflag:s28], $0x80  }
0x75: {  	[sflag:s28] =	ssyncset.done $0x0  }
0x76: {  	[sflag:s28] =	ssyncadd.s32 $0xFFFFFF80  }
0x77: {  	_ =	swait.ge [sflag:s28], $0x80  }
0x78: {  	[sflag:s28] =	ssyncset.done $0x0  }
0x79: {  	[sflag:s28] =	ssyncadd.s32 $0xFFFFFF80  }
0x7a: {  	_ =	swait.ge [sflag:s28], $0x80  }
0x7b: {  	[sflag:s28] =	ssyncset.done $0x0  }
0x7c: {  	[sflag:s28] =	ssyncadd.s32 $0xFFFFFF80  }
0x7d: {  	_ =	swait.ge [sflag:s28], $0x80  }
0x7e: {  	[sflag:s28] =	ssyncset.done $0x0  }
0x7f: {  	[sflag:s28] =	ssyncadd.s32 $0xFFFFFF80  }
0x80: {  	_ =	swait.ge [sflag:s28], $0x80  }
0x81: {  	[sflag:s28] =	ssyncset.done $0x0  }
0x82: {  	[sflag:s28] =	ssyncadd.s32 $0xFFFFFF80  }
0x83: {  	_ =	swait.ge [sflag:s28], $0x80  }
0x84: {  	[sflag:s28] =	ssyncset.done $0x0  }
0x85: {  	[sflag:s28] =	ssyncadd.s32 $0xFFFFFF80  }
0x86: {  	_ =	swait.ge [sflag:s28], $0x80  }
0x87: {  	[sflag:s28] =	ssyncset.done $0x0  }
0x88: {  	[sflag:s28] =	ssyncadd.s32 $0xFFFFFF80  }
0x89: {  	_ =	swait.ge [sflag:s28], $0x80  }
0x8a: {  	[sflag:s28] =	ssyncset.done $0x0  }
0x8b: {  	[sflag:s28] =	ssyncadd.s32 $0xFFFFFF80  }
0x8c: {  	_ =	swait.ge [sflag:s28], $0x80  }
0x8d: {  	[sflag:s28] =	ssyncset.done $0x0  }
0x8e: {  	[sflag:s28] =	ssyncadd.s32 $0xFFFFFF80  }
0x8f: {  	_ =	swait.ge [sflag:s28], $0x80  }
0x90: {  	[sflag:s28] =	ssyncset.done $0x0  }
0x91: {  	[sflag:s28] =	ssyncadd.s32 $0xFFFFFF80  }
0x92: {  	_ =	swait.ge [sflag:s28], $0x80  }
0x93: {  	[sflag:s28] =	ssyncset.done $0x0  }
0x94: {  	[sflag:s28] =	ssyncadd.s32 $0xFFFFFF80  }
0x95: {  	_ =	swait.ge [sflag:s28], $0x80  }
0x96: {  	[sflag:s28] =	ssyncset.done $0x0  }
0x97: {  	[sflag:s28] =	ssyncadd.s32 $0xFFFFFF80  }
0x98: {  	_ =	swait.ge [sflag:s28], $0x80  }
0x99: {  	[sflag:s28] =	ssyncset.done $0x0  }
0x9a: {  	[sflag:s28] =	ssyncadd.s32 $0xFFFFFF80  }
0x9b: {  	_ =	swait.ge [sflag:s28], $0x80  }
0x9c: {  	[sflag:s28] =	ssyncset.done $0x0  }
0x9d: {  	[sflag:s28] =	ssyncadd.s32 $0xFFFFFF80  }
0x9e: {  	s5 =	simm.s32 $0x0;
	_ =	swait.ge [sflag:s28], $0x80  }
0x9f: {  	v7 =	vor.u32 s5, v6;
	[sflag:s28] =	ssyncset.done $0x0  }
0xa0: {  	[sflag:s28] =	ssyncadd.s32 $0xFFFFFF80  }
0xa1: {  	_ =	swait.ge [sflag:s28], $0x80  }
0xa2: {  	[sflag:s28] =	ssyncset.done $0x0  }
0xa3: {  	[sflag:s28] =	ssyncadd.s32 $0xFFFFFF80  }
0xa4: {  	s7 =	simm.s32 $0x2;
	v7 =	vld.idx.msk [tilespmem:v7+s11+$0x0], $0xffff  }
0xa5: {  	v8 =	vor.u32 s7, v6;
	_ =	sdelay $0x2  }
0xa6: {  	s0 =	simm.s32 $0x1CD0  }
0xa7: {  	[tilespmem:s0+$0xFFFFFFB0] =	vst v7  }
0xa8: {  	s12 =	simm.s32 $0x4;
	v7 =	vld.idx.msk [tilespmem:v8+s11+$0x0], $0xffff  }
0xa9: {  	v8 =	vor.u32 s12, v6;
	_ =	sdelay $0x3  }
0xaa: {  	[tilespmem:s0+$0xFFFFFFC0] =	vst v7  }
0xab: {  	s13 =	simm.s32 $0x6;
	v7 =	vld.idx.msk [tilespmem:v8+s11+$0x0], $0xffff  }
0xac: {  	v8 =	vor.u32 s13, v6;
	_ =	sdelay $0x3  }
0xad: {  	[tilespmem:s0+$0xFFFFFFD0] =	vst v7  }
0xae: {  	s7 =	simm.s32 $0x8;
	v7 =	vld.idx.msk [tilespmem:v8+s11+$0x0], $0xffff  }
0xaf: {  	v8 =	vor.u32 s7, v6;
	_ =	sdelay $0x3  }
0xb0: {  	[tilespmem:s0+$0xFFFFFFE0] =	vst v7  }
0xb1: {  	s12 =	simm.s32 $0xA;
	v7 =	vld.idx.msk [tilespmem:v8+s11+$0x0], $0xffff  }
0xb2: {  	v8 =	vor.u32 s12, v6;
	_ =	sdelay $0x3  }
0xb3: {  	[tilespmem:s0+$0xFFFFFFF0] =	vst v7  }
0xb4: {  	s13 =	simm.s32 $0xC;
	v7 =	vld.idx.msk [tilespmem:v8+s11+$0x0], $0xffff  }
0xb5: {  	v8 =	vor.u32 s13, v6;
	_ =	sdelay $0x3  }
0xb6: {  	[tilespmem:s0+$0x0] =	vst v7  }
0xb7: {  	s7 =	simm.s32 $0xE;
	v7 =	vld.idx.msk [tilespmem:v8+s11+$0x0], $0xffff  }
0xb8: {  	v8 =	vor.u32 s7, v6;
	_ =	sdelay $0x3  }
0xb9: {  	[tilespmem:s0+$0x10] =	vst v7  }
0xba: {  	s12 =	simm.s32 $0x10;
	v7 =	vld.idx.msk [tilespmem:v8+s11+$0x0], $0xffff  }
0xbb: {  	v8 =	vor.u32 s12, v6;
	_ =	sdelay $0x3  }
0xbc: {  	[tilespmem:s0+$0x20] =	vst v7  }
0xbd: {  	s13 =	simm.s32 $0x12;
	v7 =	vld.idx.msk [tilespmem:v8+s11+$0x0], $0xffff  }
0xbe: {  	v8 =	vor.u32 s13, v6;
	_ =	sdelay $0x3  }
0xbf: {  	[tilespmem:s0+$0x30] =	vst v7  }
0xc0: {  	s5 =	simm.s32 $0x26;
	s7 =	simm.s32 $0x3A;
	s12 =	simm.s32 $0x14;
	v7 =	vld.idx.msk [tilespmem:v8+s11+$0x0], $0xffff  }
.LBB2_5:
0xc1: {  	p0 =	sne.s32 s7, $0x9C2;
	v8 =	vor.u32 s12, v6;
	_ =	sdelay $0x3  }
0xc2: {  	[tilespmem:s0+$0x40] =	vst v7  }
0xc3: {  	v7 =	vld.idx.msk [tilespmem:v8+s11+$0x0], $0xffff  }
0xc4: {  	s12 =	sadd.s32 $0xFFFFFFF0, s5  }
0xc5: {  	v8 =	vor.u32 s12, v6;
	_ =	sdelay $0x2  }
0xc6: {  	s0 =	sadd.s32 $0xA0, s0  }
0xc7: {  	[tilespmem:s0+$0xFFFFFFB0] =	vst v7  }
0xc8: {  	v7 =	vld.idx.msk [tilespmem:v8+s11+$0x0], $0xffff  }
0xc9: {  	s12 =	sadd.s32 $0xFFFFFFF2, s5  }
0xca: {  	v8 =	vor.u32 s12, v6;
	_ =	sdelay $0x3  }
0xcb: {  	[tilespmem:s0+$0xFFFFFFC0] =	vst v7  }
0xcc: {  	v7 =	vld.idx.msk [tilespmem:v8+s11+$0x0], $0xffff  }
0xcd: {  	s12 =	sadd.s32 $0xFFFFFFF4, s5  }
0xce: {  	v8 =	vor.u32 s12, v6;
	_ =	sdelay $0x3  }
0xcf: {  	[tilespmem:s0+$0xFFFFFFD0] =	vst v7  }
0xd0: {  	v7 =	vld.idx.msk [tilespmem:v8+s11+$0x0], $0xffff  }
0xd1: {  	s12 =	sadd.s32 $0xFFFFFFF6, s5  }
0xd2: {  	v8 =	vor.u32 s12, v6;
	_ =	sdelay $0x3  }
0xd3: {  	[tilespmem:s0+$0xFFFFFFE0] =	vst v7  }
0xd4: {  	v7 =	vld.idx.msk [tilespmem:v8+s11+$0x0], $0xffff  }
0xd5: {  	s12 =	sadd.s32 $0xFFFFFFF8, s5  }
0xd6: {  	v8 =	vor.u32 s12, v6;
	_ =	sdelay $0x3  }
0xd7: {  	[tilespmem:s0+$0xFFFFFFF0] =	vst v7  }
0xd8: {  	v7 =	vld.idx.msk [tilespmem:v8+s11+$0x0], $0xffff  }
0xd9: {  	s12 =	sadd.s32 $0xFFFFFFFA, s5  }
0xda: {  	v8 =	vor.u32 s12, v6;
	_ =	sdelay $0x3  }
0xdb: {  	[tilespmem:s0+$0x0] =	vst v7  }
0xdc: {  	v7 =	vld.idx.msk [tilespmem:v8+s11+$0x0], $0xffff  }
0xdd: {  	s12 =	sadd.s32 $0xFFFFFFFC, s5  }
0xde: {  	v8 =	vor.u32 s12, v6;
	_ =	sdelay $0x3  }
0xdf: {  	[tilespmem:s0+$0x10] =	vst v7  }
0xe0: {  	v7 =	vld.idx.msk [tilespmem:v8+s11+$0x0], $0xffff  }
0xe1: {  	s12 =	sadd.s32 $0xFFFFFFFE, s5  }
0xe2: {  	v8 =	vor.u32 s12, v6;
	_ =	sdelay $0x3  }
0xe3: {  	[tilespmem:s0+$0x20] =	vst v7  }
0xe4: {  	v7 =	vld.idx.msk [tilespmem:v8+s11+$0x0], $0xffff;
	_ =	sdelay $0x1  }
0xe5: {  	v8 =	vor.u32 s5, v6;
	s5 =	smov.u32 s7;
	_ =	sdelay $0x1  }
.Ltmp1:
0xe6: {  	(pc) =	sbr.rel @p0 .LBB2_5-.Ltmp1, $4  }
0xe7: {  	_ = 	snop  }
0xe8: {  	[tilespmem:s0+$0x30] =	vst v7  }
0xe9: {  	v7 =	vld.idx.msk [tilespmem:v8+s11+$0x0], $0xffff  }
0xea: {  	s7 =	sadd.s32 $0x14, s7;
	s12 =	sadd.s32 $0xFFFFFFEE, s5  }
0xeb: {  	v8 =	vor.u32 s12, v6;
	_ =	sdelay $0x3  }
0xec: {  	[tilespmem:s0+$0x40] =	vst v7  }
0xed: {  	s7 =	sadd.s32 $0xFFFFFFF0, s5;
	v7 =	vld.idx.msk [tilespmem:v8+s11+$0x0], $0xffff  }
0xee: {  	v8 =	vor.u32 s7, v6;
	_ =	sdelay $0x2  }
0xef: {  	s0 =	sadd.s32 $0xA0, s0  }
0xf0: {  	[tilespmem:s0+$0xFFFFFFB0] =	vst v7  }
0xf1: {  	s13 =	sadd.s32 $0xFFFFFFF2, s5;
	v7 =	vld.idx.msk [tilespmem:v8+s11+$0x0], $0xffff  }
0xf2: {  	v8 =	vor.u32 s13, v6;
	_ =	sdelay $0x3  }
0xf3: {  	[tilespmem:s0+$0xFFFFFFC0] =	vst v7  }
0xf4: {  	s12 =	sadd.s32 $0xFFFFFFF4, s5;
	v7 =	vld.idx.msk [tilespmem:v8+s11+$0x0], $0xffff  }
0xf5: {  	v8 =	vor.u32 s12, v6;
	_ =	sdelay $0x3  }
0xf6: {  	[tilespmem:s0+$0xFFFFFFD0] =	vst v7  }
0xf7: {  	s13 =	sadd.s32 $0xFFFFFFF6, s5;
	v7 =	vld.idx.msk [tilespmem:v8+s11+$0x0], $0xffff  }
0xf8: {  	v8 =	vor.u32 s13, v6;
	_ =	sdelay $0x3  }
0xf9: {  	[tilespmem:s0+$0xFFFFFFE0] =	vst v7  }
0xfa: {  	s12 =	sadd.s32 $0xFFFFFFF8, s5;
	v7 =	vld.idx.msk [tilespmem:v8+s11+$0x0], $0xffff  }
0xfb: {  	v8 =	vor.u32 s12, v6;
	_ =	sdelay $0x3  }
0xfc: {  	[tilespmem:s0+$0xFFFFFFF0] =	vst v7  }
0xfd: {  	s13 =	sadd.s32 $0xFFFFFFFA, s5;
	v7 =	vld.idx.msk [tilespmem:v8+s11+$0x0], $0xffff  }
0xfe: {  	v8 =	vor.u32 s13, v6;
	_ =	sdelay $0x3  }
0xff: {  	[tilespmem:s0+$0x0] =	vst v7  }
0x100: {  	s12 =	sadd.s32 $0xFFFFFFFC, s5;
	v7 =	vld.idx.msk [tilespmem:v8+s11+$0x0], $0xffff  }
0x101: {  	v8 =	vor.u32 s12, v6;
	_ =	sdelay $0x3  }
0x102: {  	[tilespmem:s0+$0x10] =	vst v7  }
0x103: {  	s13 =	sadd.s32 $0xFFFFFFFE, s5;
	v7 =	vld.idx.msk [tilespmem:v8+s11+$0x0], $0xffff  }
0x104: {  	v8 =	vor.u32 s13, v6;
	_ =	sdelay $0x3  }
0x105: {  	[tilespmem:s0+$0x20] =	vst v7  }
0x106: {  	v7 =	vld.idx.msk [tilespmem:v8+s11+$0x0], $0xffff  }
0x107: {  	v8 =	vor.u32 s5, v6;
	_ =	sdelay $0x3  }
0x108: {  	s7 =	sadd.s32 s6, s1;
	[tilespmem:s0+$0x30] =	vst v7  }
0x109: {  	s5 =	sshrl.u32 s7, $0x3;
	v7 =	vld.idx.msk [tilespmem:v8+s11+$0x0], $0xffff  }
0x10a: {  	s12 =	sshll.u32 s1, $0x7;
	s5 =	smul.u32 $0x27400, s5  }
0x10b: {  	s7 =	sand.u32 $0x380, s12  }
0x10c: {  	s1 =	sadd.s32 $0x1, s1;
	s5 =	sor.u32 s7, s5  }
0x10d: {  	p0 =	sne.s32 s1, $0x20;
	s5 =	sshrl.u32 s5, $0x3  }
.Ltmp2:
0x10e: {  	s13 =	sadd.s32 s4, s5;
	[tilespmem:s0+$0x40] =	vst v7;
	(pc) =	sbr.rel @p0 .LBB2_2-.Ltmp2, $4  }
0x10f: {  	[hbm4b:s13+s10] =	stream.strided.scatter [tilespmem:s30], [sflag:$0x2], $0x4E80, s29, s10, $0x38;
	[tilespmem:$0x6B00] =	vst v63  }
0x110: {  	_ =	swait.ge [sflag:s9], $0x4E80  }
0x111: {  	[sflag:s9] =	ssyncset.done $0x0  }
0x112: {  	s31 =	sadd.s32 $0x32, s31;
	[sflag:s9] =	ssyncadd.s32 $0xFFFFB180  }
0x113: {  	s1 =	rddreg [dreg:$0x5]  }
0x114: {  	s0 =	rddreg [dreg:$0x4];
	s1 =	sadd.s32 $0x1, s1  }
0x115: {  	p0 =	sne.s32 s1, s0  }
.Ltmp3:
0x116: {  	_ = 	snop;
	(pc) =	sbr.rel @p0 .LBB2_1-.Ltmp3, $1  }
0x117: {  	_ =	sdelay $0x3  }
0x118: {  	_ =	sfence.sel $0x180000  }
0x119: {  	[bflag:$0x0] =	sbarrier.arrive $0xFFFF  }
0x11a: {  	_ =	strace $0x90000047  }
0x11b: {  	s0 =	stileid.u32;
	[bflag:$0x2] =	sbarrier.arrive $0xFFFF  }
0x11c: {  	p0 =	sne.s32 s0, $0x0;
	s0 =	rddreg [dreg:$0x2]  }
0x11d: {  	s0 =	sadd.s32 @!p0 $0x100000, s0  }
0x11e: {  	[sflag:s0] =	ssyncadd.tile.s32 @!p0 $0x1;
	_ =	shalt  }
.Lfunc_end2:
_tile_overlayer_lowered:
.L_overlay_start_2:
0x11f: {  	(tag) =	ssettag $0x2  }
0x120: {  	s0 =	rddreg [dreg:$0x0];
	s2 =	stileid.u32  }
0x121: {  	s1 =	rddreg [dreg:$0x1];
	p0 =	sne.s32 s2, $0x0  }
0x122: {  	s3 =	rddreg [dreg:$0x2];
	[bflag:$0x3] =	sbarrier.arrive $0xFFFF;
	s2 =	simm.s32 @!p0 $0x1C02  }
0x123: {  	[timem:s3], [sflag:s2] =	dma.local @!p0 [hbm:s0], s1  }
0x124: {  	s0 =	simm.s32 @!p0 $0x2  }
0x125: {  	_ =	swait.ge @!p0 [sflag:s0], s1  }
0x126: {  	s1 =	ssub.s32 @!p0 $0x0, s1;
	[sflag:s0] =	ssyncset.done @!p0 $0x0  }
0x127: {  	[sflag:s0] =	ssyncadd.s32 @!p0 s1  }
0x128: {  	[bflag:$0x3] =	sbarrier.arrive $0xFFFF  }
0x129: {  	_ =	shalt  }

</sc_bundles>
